<compile_context>
chip_gen: v7x
topology: tpu7x:2x2x1
jax: 0.10.2.dev20260603
libtpu: 0.0.44.dev20260713+nightly
codegen_flags: <defaults>
</compile_context>

<pallas_src>
import functools

import jax
import jax.numpy as jnp
from jax import lax
from jax.experimental import pallas as pl
from jax.experimental.pallas import tpu as pltpu
from jax.experimental.pallas import tpu_sc as plsc

N = 10000
E = 320000
D = 128

NC = 2
NS = 16
NW = NC * NS
EW = E // NW
C = 80
NCHUNK = EW // C
RPS = 624
TAIL = N - RPS * NS
ZR = 208


NBUF = 4
NIDX = 2 * NBUF


def _agg_body(x_hbm, ei_hbm, zf_hbm, zd_hbm, part_hbm, deg_hbm,
              rows_bufs, src_bufs, dst_bufs, ones_v, acc_sh, deg_sh,
              gsems, isems, dsems):
    cid = lax.axis_index("c")
    sid = lax.axis_index("s")
    wid = sid * NC + cid

    for i in range(C // 16):
        ones_v[pl.ds(i * 16, 16)] = jnp.full((16,), 1.0, dtype=jnp.float32)
    for j in range(RPS // ZR):
        pltpu.sync_copy(zf_hbm,
                        acc_sh.at[pl.ds(sid * RPS + j * ZR, ZR)])

    @pl.when(sid == 0)
    def _():
        pltpu.sync_copy(zf_hbm.at[pl.ds(0, TAIL)],
                        acc_sh.at[pl.ds(RPS * NS, TAIL)])
        pltpu.sync_copy(zd_hbm, deg_sh)

    plsc.subcore_barrier()

    def load_idx(u, s):
        pltpu.async_copy(ei_hbm.at[0, wid, u], src_bufs[s], isems[s])
        pltpu.async_copy(ei_hbm.at[1, wid, u], dst_bufs[s], dsems[s])

    def start_gather(u, s, b):
        pltpu.make_async_copy(ei_hbm.at[0, 0, 0],
                              src_bufs[s], isems[s]).wait()
        pltpu.async_copy(x_hbm.at[src_bufs[s]], rows_bufs[b], gsems[b])

    for s in range(NIDX):
        load_idx(s, s)
    for b in range(NBUF):
        start_gather(b, b, b)

    @pl.loop(0, NCHUNK)
    def _(t):
        r = lax.rem(t, NIDX)
        for s8 in range(NIDX):
            @pl.when(r == s8)
            def _(s8=s8):
                b = s8 % NBUF
                pltpu.make_async_copy(x_hbm.at[pl.ds(0, C)],
                                      rows_bufs[b], gsems[b]).wait()
                pltpu.make_async_copy(ei_hbm.at[1, 0, 0],
                                      dst_bufs[s8], dsems[s8]).wait()
                pltpu.sync_copy(rows_bufs[b], acc_sh.at[dst_bufs[s8]],
                                add=True)
                pltpu.sync_copy(ones_v, deg_sh.at[dst_bufs[s8]], add=True)

                @pl.when(t + NBUF < NCHUNK)
                def _():
                    start_gather(t + NBUF, (s8 + NBUF) % NIDX, b)

                @pl.when(t + NIDX < NCHUNK)
                def _():
                    load_idx(t + NIDX, s8)

    plsc.subcore_barrier()

    pltpu.sync_copy(acc_sh.at[pl.ds(sid * RPS, RPS)],
                    part_hbm.at[cid, pl.ds(sid * RPS, RPS)])

    @pl.when(sid == 0)
    def _():
        pltpu.sync_copy(acc_sh.at[pl.ds(RPS * NS, TAIL)],
                        part_hbm.at[cid, pl.ds(RPS * NS, TAIL)])
        pltpu.sync_copy(deg_sh, deg_hbm.at[cid])


@functools.cache
def _make_aggregate():
    return pl.kernel(
        _agg_body,
        out_type=[
            jax.ShapeDtypeStruct((NC, N, D), jnp.float32),
            jax.ShapeDtypeStruct((NC, N), jnp.float32),
        ],
        mesh=plsc.VectorSubcoreMesh(core_axis_name="c", subcore_axis_name="s",
                                    num_cores=NC, num_subcores=NS),
        scratch_types=[
            [pltpu.VMEM((C, D), jnp.float32)] * NBUF,
            [pltpu.VMEM((C,), jnp.int32)] * NIDX,
            [pltpu.VMEM((C,), jnp.int32)] * NIDX,
            pltpu.VMEM((C,), jnp.float32),
            pltpu.VMEM_SHARED((N, D), jnp.float32),
            pltpu.VMEM_SHARED((N,), jnp.float32),
            [pltpu.SemaphoreType.DMA] * NBUF,
            [pltpu.SemaphoreType.DMA] * NIDX,
            [pltpu.SemaphoreType.DMA] * NIDX,
        ],
    )


BR = 1000


def _tc_body(p, d0, d1, x, wl, wr, b, o):
    deg = jnp.maximum(d0[...] + d1[...], 1.0)
    aggr = (p[0] + p[1]) / deg
    dims = (((1,), (1,)), ((), ()))
    o[...] = (lax.dot_general(aggr, wl[...], dims,
                              preferred_element_type=jnp.float32)
              + lax.dot_general(x[...], wr[...], dims,
                                preferred_element_type=jnp.float32)
              + b[...])


_combine = pl.pallas_call(
    _tc_body,
    grid=(N // BR,),
    in_specs=[
        pl.BlockSpec((2, BR, D), lambda i: (0, i, 0)),
        pl.BlockSpec((BR, 1), lambda i: (i, 0)),
        pl.BlockSpec((BR, 1), lambda i: (i, 0)),
        pl.BlockSpec((BR, D), lambda i: (i, 0)),
        pl.BlockSpec((D, D), lambda i: (0, 0)),
        pl.BlockSpec((D, D), lambda i: (0, 0)),
        pl.BlockSpec((1, D), lambda i: (0, 0)),
    ],
    out_specs=pl.BlockSpec((BR, D), lambda i: (i, 0)),
    out_shape=jax.ShapeDtypeStruct((N, D), jnp.float32),
)


def kernel(x, edge_index, W_l, W_r, b):
    ei = edge_index.astype(jnp.int32).reshape(2, NW, NCHUNK, C)
    zf = jnp.zeros((ZR, D), dtype=jnp.float32)
    zd = jnp.zeros((N,), dtype=jnp.float32)
    part, deg = _make_aggregate()(x, ei, zf, zd)
    return _combine(part, deg[0].reshape(N, 1), deg[1].reshape(N, 1),
                    x, W_l, W_r, b.reshape(1, D))

# --- scband reference (transcript-rebuilt; emitter-appended) ---
"""Pipeline reference for scband-graph-basic-block-79937931313499 (READ-ONLY COPY).

The authoritative reference and input builder live on the scoring server;
editing this copy changes nothing except your own understanding.
"""

import jax, jax.numpy as jnp
import numpy as np

N = 10000
E = 320000
D_IN = 128
D_OUT = 128


def setup_inputs(seed: int = 0) -> dict:
    key = jax.random.key(seed)
    k1, k2, k3, k4 = jax.random.split(key, 4)
    x = jax.random.normal(k1, (N, D_IN), dtype=jnp.float32)
    edge_index = jax.random.randint(k2, (2, E), 0, N)
    # SAGEConv params: lin_l (applied to aggregated neighbors, has bias),
    # lin_r (root weight, no bias). PyG Linear stores weight as [out, in].
    W_l = jax.random.normal(k3, (D_OUT, D_IN), dtype=jnp.float32) * (1.0 / np.sqrt(D_IN))
    W_r = jax.random.normal(k4, (D_OUT, D_IN), dtype=jnp.float32) * (1.0 / np.sqrt(D_IN))
    b = jnp.zeros((D_OUT,), dtype=jnp.float32)
    return {"x": x, "edge_index": edge_index, "W_l": W_l, "W_r": W_r, "b": b}


def reference(x, edge_index, W_l, W_r, b):
    # norm = Identity (use_batch_norm=False)
    src = edge_index[0]
    dst = edge_index[1]
    # message: gather source node features along each edge
    msgs = jnp.take(x, src, axis=0)  # [E, D_IN]
    # mean aggregation at destination nodes
    summed = jax.ops.segment_sum(msgs, dst, num_segments=N)  # [N, D_IN]
    deg = jax.ops.segment_sum(jnp.ones((E,), dtype=x.dtype), dst, num_segments=N)
    aggr = summed / jnp.clip(deg, 1.0, None)[:, None]
    # out = lin_l(aggr) + lin_r(x)
    out = aggr @ W_l.T + b + x @ W_r.T
    return out

if __name__ == "__main__":
    import jax
    _d = setup_inputs()
    print(jax.jit(kernel)(*tuple(_d.values())))

</pallas_src>

<mosaic_0001>
#map = affine_map<(d0, d1) -> (0, 0)>
#map1 = affine_map<(d0, d1) -> (0, 0, 0, 0)>
#map2 = affine_map<(d0, d1) -> (0)>
#map3 = affine_map<(d0, d1) -> (0, 0, 0)>
module attributes {stable_mosaic.version = 14 : i64} {
  func.func @_agg_body(%arg0: i32, %arg1: i32, %arg2: memref<10000x128xf32, #tpu.memory_space<hbm>>, %arg3: memref<2x32x125x80xi32, #tpu.memory_space<hbm>>, %arg4: memref<208x128xf32, #tpu.memory_space<hbm>>, %arg5: memref<10000xf32, #tpu.memory_space<hbm>>, %arg6: memref<2x10000x128xf32, #tpu.memory_space<hbm>>, %arg7: memref<2x10000xf32, #tpu.memory_space<hbm>>, %arg8: memref<80x128xf32, #tpu.memory_space<vmem>>, %arg9: memref<80x128xf32, #tpu.memory_space<vmem>>, %arg10: memref<80x128xf32, #tpu.memory_space<vmem>>, %arg11: memref<80x128xf32, #tpu.memory_space<vmem>>, %arg12: memref<80xi32, #tpu.memory_space<vmem>>, %arg13: memref<80xi32, #tpu.memory_space<vmem>>, %arg14: memref<80xi32, #tpu.memory_space<vmem>>, %arg15: memref<80xi32, #tpu.memory_space<vmem>>, %arg16: memref<80xi32, #tpu.memory_space<vmem>>, %arg17: memref<80xi32, #tpu.memory_space<vmem>>, %arg18: memref<80xi32, #tpu.memory_space<vmem>>, %arg19: memref<80xi32, #tpu.memory_space<vmem>>, %arg20: memref<80xi32, #tpu.memory_space<vmem>>, %arg21: memref<80xi32, #tpu.memory_space<vmem>>, %arg22: memref<80xi32, #tpu.memory_space<vmem>>, %arg23: memref<80xi32, #tpu.memory_space<vmem>>, %arg24: memref<80xi32, #tpu.memory_space<vmem>>, %arg25: memref<80xi32, #tpu.memory_space<vmem>>, %arg26: memref<80xi32, #tpu.memory_space<vmem>>, %arg27: memref<80xi32, #tpu.memory_space<vmem>>, %arg28: memref<80xf32, #tpu.memory_space<vmem>>, %arg29: memref<10000x128xf32, #tpu.memory_space<vmem_shared>>, %arg30: memref<10000xf32, #tpu.memory_space<vmem_shared>>, %arg31: memref<!tpu.dma_semaphore, #tpu.memory_space<semaphore_mem>>, %arg32: memref<!tpu.dma_semaphore, #tpu.memory_space<semaphore_mem>>, %arg33: memref<!tpu.dma_semaphore, #tpu.memory_space<semaphore_mem>>, %arg34: memref<!tpu.dma_semaphore, #tpu.memory_space<semaphore_mem>>, %arg35: memref<!tpu.dma_semaphore, #tpu.memory_space<semaphore_mem>>, %arg36: memref<!tpu.dma_semaphore, #tpu.memory_space<semaphore_mem>>, %arg37: memref<!tpu.dma_semaphore, #tpu.memory_space<semaphore_mem>>, %arg38: memref<!tpu.dma_semaphore, #tpu.memory_space<semaphore_mem>>, %arg39: memref<!tpu.dma_semaphore, #tpu.memory_space<semaphore_mem>>, %arg40: memref<!tpu.dma_semaphore, #tpu.memory_space<semaphore_mem>>, %arg41: memref<!tpu.dma_semaphore, #tpu.memory_space<semaphore_mem>>, %arg42: memref<!tpu.dma_semaphore, #tpu.memory_space<semaphore_mem>>, %arg43: memref<!tpu.dma_semaphore, #tpu.memory_space<semaphore_mem>>, %arg44: memref<!tpu.dma_semaphore, #tpu.memory_space<semaphore_mem>>, %arg45: memref<!tpu.dma_semaphore, #tpu.memory_space<semaphore_mem>>, %arg46: memref<!tpu.dma_semaphore, #tpu.memory_space<semaphore_mem>>, %arg47: memref<!tpu.dma_semaphore, #tpu.memory_space<semaphore_mem>>, %arg48: memref<!tpu.dma_semaphore, #tpu.memory_space<semaphore_mem>>, %arg49: memref<!tpu.dma_semaphore, #tpu.memory_space<semaphore_mem>>, %arg50: memref<!tpu.dma_semaphore, #tpu.memory_space<semaphore_mem>>) attributes {dimension_semantics = [#tpu.dimension_semantics<core_parallel>, #tpu.dimension_semantics<subcore_parallel>], iteration_bounds = array<i64: 2, 16>, scalar_prefetch = 0 : i64, scratch_operands = 43 : i64, tpu.core_type = #tpu.core_type<sc_vector_subcore>, window_params = [{transform_indices = #map}, {transform_indices = #map1}, {transform_indices = #map}, {transform_indices = #map2}, {transform_indices = #map3}, {transform_indices = #map}]} {
    %mul3A = arith.constant 2 : i32
    %mul3A_0 = arith.muli %arg1, %mul3A : i32
    %add3A = arith.addi %mul3A_0, %arg0 : i32
    %broadcast_in_dim3A = arith.constant 1.000000e+00 : f32
    %broadcast_in_dim3A_1 = vector.broadcast %broadcast_in_dim3A : f32 to vector<16xf32>
    %swap3A = arith.constant 0 : index
    %swap3A_2 = tpu.vector_load %arg28[%swap3A] {strides = array<i32>} : memref<80xf32, #tpu.memory_space<vmem>>, vector<16xf32>,
    %swap3A_3 = vector.shape_cast %swap3A_2 : vector<16xf32> to vector<16xf32>
    %swap3A_4 = vector.shape_cast %broadcast_in_dim3A_1 : vector<16xf32> to vector<16xf32>
    tpu.vector_store %arg28[%swap3A], %swap3A_4 {strides = array<i32>} : memref<80xf32, #tpu.memory_space<vmem>>, vector<16xf32>,
    %broadcast_in_dim3A_5 = arith.constant 1.000000e+00 : f32
    %broadcast_in_dim3A_6 = vector.broadcast %broadcast_in_dim3A_5 : f32 to vector<16xf32>
    %swap3A_7 = arith.constant 16 : index
    %swap3A_8 = tpu.vector_load %arg28[%swap3A_7] {strides = array<i32>} : memref<80xf32, #tpu.memory_space<vmem>>, vector<16xf32>,
    %swap3A_9 = vector.shape_cast %swap3A_8 : vector<16xf32> to vector<16xf32>
    %swap3A_10 = vector.shape_cast %broadcast_in_dim3A_6 : vector<16xf32> to vector<16xf32>
    tpu.vector_store %arg28[%swap3A_7], %swap3A_10 {strides = array<i32>} : memref<80xf32, #tpu.memory_space<vmem>>, vector<16xf32>,
    %broadcast_in_dim3A_11 = arith.constant 1.000000e+00 : f32
    %broadcast_in_dim3A_12 = vector.broadcast %broadcast_in_dim3A_11 : f32 to vector<16xf32>
    %swap3A_13 = arith.constant 32 : index
    %swap3A_14 = tpu.vector_load %arg28[%swap3A_13] {strides = array<i32>} : memref<80xf32, #tpu.memory_space<vmem>>, vector<16xf32>,
    %swap3A_15 = vector.shape_cast %swap3A_14 : vector<16xf32> to vector<16xf32>
    %swap3A_16 = vector.shape_cast %broadcast_in_dim3A_12 : vector<16xf32> to vector<16xf32>
    tpu.vector_store %arg28[%swap3A_13], %swap3A_16 {strides = array<i32>} : memref<80xf32, #tpu.memory_space<vmem>>, vector<16xf32>,
    %broadcast_in_dim3A_17 = arith.constant 1.000000e+00 : f32
    %broadcast_in_dim3A_18 = vector.broadcast %broadcast_in_dim3A_17 : f32 to vector<16xf32>
    %swap3A_19 = arith.constant 48 : index
    %swap3A_20 = tpu.vector_load %arg28[%swap3A_19] {strides = array<i32>} : memref<80xf32, #tpu.memory_space<vmem>>, vector<16xf32>,
    %swap3A_21 = vector.shape_cast %swap3A_20 : vector<16xf32> to vector<16xf32>
    %swap3A_22 = vector.shape_cast %broadcast_in_dim3A_18 : vector<16xf32> to vector<16xf32>
    tpu.vector_store %arg28[%swap3A_19], %swap3A_22 {strides = array<i32>} : memref<80xf32, #tpu.memory_space<vmem>>, vector<16xf32>,
    %broadcast_in_dim3A_23 = arith.constant 1.000000e+00 : f32
    %broadcast_in_dim3A_24 = vector.broadcast %broadcast_in_dim3A_23 : f32 to vector<16xf32>
    %swap3A_25 = arith.constant 64 : index
    %swap3A_26 = tpu.vector_load %arg28[%swap3A_25] {strides = array<i32>} : memref<80xf32, #tpu.memory_space<vmem>>, vector<16xf32>,
    %swap3A_27 = vector.shape_cast %swap3A_26 : vector<16xf32> to vector<16xf32>
    %swap3A_28 = vector.shape_cast %broadcast_in_dim3A_24 : vector<16xf32> to vector<16xf32>
    tpu.vector_store %arg28[%swap3A_25], %swap3A_28 {strides = array<i32>} : memref<80xf32, #tpu.memory_space<vmem>>, vector<16xf32>,
    %mul3A_29 = arith.constant 624 : i32
    %mul3A_30 = arith.muli %arg1, %mul3A_29 : i32
    %add3A_31 = arith.constant 0 : i32
    %add3A_32 = arith.addi %mul3A_30, %add3A_31 : i32
    "tpu.region"() ({
      %run_scoped3A = tpu.sem_alloc : memref<!tpu.dma_semaphore, #tpu.memory_space<semaphore_mem>>
      %dma_start3A_231 = arith.constant 0 : i32
      %dma_start3A_232 = tpu.memref_slice %arg29[%add3A_32, %dma_start3A_231] : memref<10000x128xf32, #tpu.memory_space<vmem_shared>> -> memref<208x128xf32, #tpu.memory_space<vmem_shared>>
      tpu.enqueue_dma source(%arg4 : memref<208x128xf32, #tpu.memory_space<hbm>>) target(%dma_start3A_232 : memref<208x128xf32, #tpu.memory_space<vmem_shared>>) target_semaphore(%run_scoped3A : memref<!tpu.dma_semaphore, #tpu.memory_space<semaphore_mem>>)
      %dma_wait3A_233 = arith.constant 0 : i32
      %dma_wait3A_234 = tpu.memref_slice %arg29[%add3A_32, %dma_wait3A_233] : memref<10000x128xf32, #tpu.memory_space<vmem_shared>> -> memref<208x128xf32, #tpu.memory_space<vmem_shared>>
      tpu.wait_dma2 semaphore(%run_scoped3A : memref<!tpu.dma_semaphore, #tpu.memory_space<semaphore_mem>>) src(%arg4 : memref<208x128xf32, #tpu.memory_space<hbm>>) dst(%dma_wait3A_234 : memref<208x128xf32, #tpu.memory_space<vmem_shared>>)
      tpu.yield
    }) : () -> ()
    %mul3A_33 = arith.constant 624 : i32
    %mul3A_34 = arith.muli %arg1, %mul3A_33 : i32
    %add3A_35 = arith.constant 208 : i32
    %add3A_36 = arith.addi %mul3A_34, %add3A_35 : i32
    "tpu.region"() ({
      %run_scoped3A = tpu.sem_alloc : memref<!tpu.dma_semaphore, #tpu.memory_space<semaphore_mem>>
      %dma_start3A_231 = arith.constant 0 : i32
      %dma_start3A_232 = tpu.memref_slice %arg29[%add3A_36, %dma_start3A_231] : memref<10000x128xf32, #tpu.memory_space<vmem_shared>> -> memref<208x128xf32, #tpu.memory_space<vmem_shared>>
      tpu.enqueue_dma source(%arg4 : memref<208x128xf32, #tpu.memory_space<hbm>>) target(%dma_start3A_232 : memref<208x128xf32, #tpu.memory_space<vmem_shared>>) target_semaphore(%run_scoped3A : memref<!tpu.dma_semaphore, #tpu.memory_space<semaphore_mem>>)
      %dma_wait3A_233 = arith.constant 0 : i32
      %dma_wait3A_234 = tpu.memref_slice %arg29[%add3A_36, %dma_wait3A_233] : memref<10000x128xf32, #tpu.memory_space<vmem_shared>> -> memref<208x128xf32, #tpu.memory_space<vmem_shared>>
      tpu.wait_dma2 semaphore(%run_scoped3A : memref<!tpu.dma_semaphore, #tpu.memory_space<semaphore_mem>>) src(%arg4 : memref<208x128xf32, #tpu.memory_space<hbm>>) dst(%dma_wait3A_234 : memref<208x128xf32, #tpu.memory_space<vmem_shared>>)
      tpu.yield
    }) : () -> ()
    %mul3A_37 = arith.constant 624 : i32
    %mul3A_38 = arith.muli %arg1, %mul3A_37 : i32
    %add3A_39 = arith.constant 416 : i32
    %add3A_40 = arith.addi %mul3A_38, %add3A_39 : i32
    "tpu.region"() ({
      %run_scoped3A = tpu.sem_alloc : memref<!tpu.dma_semaphore, #tpu.memory_space<semaphore_mem>>
      %dma_start3A_231 = arith.constant 0 : i32
      %dma_start3A_232 = tpu.memref_slice %arg29[%add3A_40, %dma_start3A_231] : memref<10000x128xf32, #tpu.memory_space<vmem_shared>> -> memref<208x128xf32, #tpu.memory_space<vmem_shared>>
      tpu.enqueue_dma source(%arg4 : memref<208x128xf32, #tpu.memory_space<hbm>>) target(%dma_start3A_232 : memref<208x128xf32, #tpu.memory_space<vmem_shared>>) target_semaphore(%run_scoped3A : memref<!tpu.dma_semaphore, #tpu.memory_space<semaphore_mem>>)
      %dma_wait3A_233 = arith.constant 0 : i32
      %dma_wait3A_234 = tpu.memref_slice %arg29[%add3A_40, %dma_wait3A_233] : memref<10000x128xf32, #tpu.memory_space<vmem_shared>> -> memref<208x128xf32, #tpu.memory_space<vmem_shared>>
      tpu.wait_dma2 semaphore(%run_scoped3A : memref<!tpu.dma_semaphore, #tpu.memory_space<semaphore_mem>>) src(%arg4 : memref<208x128xf32, #tpu.memory_space<hbm>>) dst(%dma_wait3A_234 : memref<208x128xf32, #tpu.memory_space<vmem_shared>>)
      tpu.yield
    }) : () -> ()
    %eq3A = arith.constant 0 : i32
    %eq3A_41 = arith.cmpi eq, %arg1, %eq3A : i32
    %convert_element_type3A = arith.extui %eq3A_41 : i1 to i32
    %cond3A = arith.constant 0 : i32
    %cond3A_42 = arith.cmpi ne, %convert_element_type3A, %cond3A : i32
    scf.if %cond3A_42 {
      "tpu.region"() ({
        %run_scoped3A = tpu.sem_alloc : memref<!tpu.dma_semaphore, #tpu.memory_space<semaphore_mem>>
        %dma_start3A_231 = arith.constant 9984 : i32
        %dma_start3A_232 = arith.constant 0 : i32
        %dma_start3A_233 = tpu.memref_slice %arg29[%dma_start3A_231, %dma_start3A_232] : memref<10000x128xf32, #tpu.memory_space<vmem_shared>> -> memref<16x128xf32, #tpu.memory_space<vmem_shared>>
        %dma_start3A_234 = arith.constant 0 : i32
        %dma_start3A_235 = arith.constant 0 : i32
        %dma_start3A_236 = tpu.memref_slice %arg4[%dma_start3A_234, %dma_start3A_235] : memref<208x128xf32, #tpu.memory_space<hbm>> -> memref<16x128xf32, #tpu.memory_space<hbm>>
        tpu.enqueue_dma source(%dma_start3A_236 : memref<16x128xf32, #tpu.memory_space<hbm>>) target(%dma_start3A_233 : memref<16x128xf32, #tpu.memory_space<vmem_shared>>) target_semaphore(%run_scoped3A : memref<!tpu.dma_semaphore, #tpu.memory_space<semaphore_mem>>)
        %dma_wait3A_237 = arith.constant 9984 : i32
        %dma_wait3A_238 = arith.constant 0 : i32
        %dma_wait3A_239 = tpu.memref_slice %arg29[%dma_wait3A_237, %dma_wait3A_238] : memref<10000x128xf32, #tpu.memory_space<vmem_shared>> -> memref<16x128xf32, #tpu.memory_space<vmem_shared>>
        %dma_wait3A_240 = arith.constant 0 : i32
        %dma_wait3A_241 = arith.constant 0 : i32
        %dma_wait3A_242 = tpu.memref_slice %arg4[%dma_wait3A_240, %dma_wait3A_241] : memref<208x128xf32, #tpu.memory_space<hbm>> -> memref<16x128xf32, #tpu.memory_space<hbm>>
        tpu.wait_dma2 semaphore(%run_scoped3A : memref<!tpu.dma_semaphore, #tpu.memory_space<semaphore_mem>>) src(%dma_wait3A_242 : memref<16x128xf32, #tpu.memory_space<hbm>>) dst(%dma_wait3A_239 : memref<16x128xf32, #tpu.memory_space<vmem_shared>>)
        tpu.yield
      }) : () -> ()
      "tpu.region"() ({
        %run_scoped3A = tpu.sem_alloc : memref<!tpu.dma_semaphore, #tpu.memory_space<semaphore_mem>>
        tpu.enqueue_dma source(%arg5 : memref<10000xf32, #tpu.memory_space<hbm>>) target(%arg30 : memref<10000xf32, #tpu.memory_space<vmem_shared>>) target_semaphore(%run_scoped3A : memref<!tpu.dma_semaphore, #tpu.memory_space<semaphore_mem>>)
        tpu.wait_dma2 semaphore(%run_scoped3A : memref<!tpu.dma_semaphore, #tpu.memory_space<semaphore_mem>>) src(%arg5 : memref<10000xf32, #tpu.memory_space<hbm>>) dst(%arg30 : memref<10000xf32, #tpu.memory_space<vmem_shared>>)
        tpu.yield
      }) : () -> ()
    } else {
    }
    %barrier3A = arith.constant 0 : index
    tpu.barrier barrier_id(%barrier3A)
    %dma_start3A = arith.constant 0 : i32
    %dma_start3A_43 = arith.constant 0 : i32
    %dma_start3A_44 = arith.constant 0 : i32
    %dma_start3A_45 = tpu.memref_slice %arg3[%dma_start3A, %add3A, %dma_start3A_43, %dma_start3A_44] : memref<2x32x125x80xi32, #tpu.memory_space<hbm>> -> memref<1x1x1x80xi32, #tpu.memory_space<hbm>>
    %dma_start3A_46 = tpu.memref_squeeze %dma_start3A_45 : memref<1x1x1x80xi32, #tpu.memory_space<hbm>> -> memref<80xi32, #tpu.memory_space<hbm>>
    %dma_start3A_47 = arith.constant 0 : i32
    %dma_start3A_48 = tpu.memref_slice %arg3[%dma_start3A, %add3A, %dma_start3A_43, %dma_start3A_47] : memref<2x32x125x80xi32, #tpu.memory_space<hbm>> -> memref<1x1x1x80xi32, #tpu.memory_space<hbm>>
    %dma_start3A_49 = tpu.memref_squeeze %dma_start3A_48 : memref<1x1x1x80xi32, #tpu.memory_space<hbm>> -> memref<80xi32, #tpu.memory_space<hbm>>
    tpu.enqueue_dma source(%dma_start3A_49 : memref<80xi32, #tpu.memory_space<hbm>>) target(%arg12 : memref<80xi32, #tpu.memory_space<vmem>>) target_semaphore(%arg35 : memref<!tpu.dma_semaphore, #tpu.memory_space<semaphore_mem>>)
    %dma_start3A_50 = arith.constant 1 : i32
    %dma_start3A_51 = arith.constant 0 : i32
    %dma_start3A_52 = arith.constant 0 : i32
    %dma_start3A_53 = tpu.memref_slice %arg3[%dma_start3A_50, %add3A, %dma_start3A_51, %dma_start3A_52] : memref<2x32x125x80xi32, #tpu.memory_space<hbm>> -> memref<1x1x1x80xi32, #tpu.memory_space<hbm>>
    %dma_start3A_54 = tpu.memref_squeeze %dma_start3A_53 : memref<1x1x1x80xi32, #tpu.memory_space<hbm>> -> memref<80xi32, #tpu.memory_space<hbm>>
    %dma_start3A_55 = arith.constant 0 : i32
    %dma_start3A_56 = tpu.memref_slice %arg3[%dma_start3A_50, %add3A, %dma_start3A_51, %dma_start3A_55] : memref<2x32x125x80xi32, #tpu.memory_space<hbm>> -> memref<1x1x1x80xi32, #tpu.memory_space<hbm>>
    %dma_start3A_57 = tpu.memref_squeeze %dma_start3A_56 : memref<1x1x1x80xi32, #tpu.memory_space<hbm>> -> memref<80xi32, #tpu.memory_space<hbm>>
    tpu.enqueue_dma source(%dma_start3A_57 : memref<80xi32, #tpu.memory_space<hbm>>) target(%arg20 : memref<80xi32, #tpu.memory_space<vmem>>) target_semaphore(%arg43 : memref<!tpu.dma_semaphore, #tpu.memory_space<semaphore_mem>>)
    %dma_start3A_58 = arith.constant 0 : i32
    %dma_start3A_59 = arith.constant 1 : i32
    %dma_start3A_60 = arith.constant 0 : i32
    %dma_start3A_61 = tpu.memref_slice %arg3[%dma_start3A_58, %add3A, %dma_start3A_59, %dma_start3A_60] : memref<2x32x125x80xi32, #tpu.memory_space<hbm>> -> memref<1x1x1x80xi32, #tpu.memory_space<hbm>>
    %dma_start3A_62 = tpu.memref_squeeze %dma_start3A_61 : memref<1x1x1x80xi32, #tpu.memory_space<hbm>> -> memref<80xi32, #tpu.memory_space<hbm>>
    %dma_start3A_63 = arith.constant 0 : i32
    %dma_start3A_64 = tpu.memref_slice %arg3[%dma_start3A_58, %add3A, %dma_start3A_59, %dma_start3A_63] : memref<2x32x125x80xi32, #tpu.memory_space<hbm>> -> memref<1x1x1x80xi32, #tpu.memory_space<hbm>>
    %dma_start3A_65 = tpu.memref_squeeze %dma_start3A_64 : memref<1x1x1x80xi32, #tpu.memory_space<hbm>> -> memref<80xi32, #tpu.memory_space<hbm>>
    tpu.enqueue_dma source(%dma_start3A_65 : memref<80xi32, #tpu.memory_space<hbm>>) target(%arg13 : memref<80xi32, #tpu.memory_space<vmem>>) target_semaphore(%arg36 : memref<!tpu.dma_semaphore, #tpu.memory_space<semaphore_mem>>)
    %dma_start3A_66 = arith.constant 1 : i32
    %dma_start3A_67 = arith.constant 1 : i32
    %dma_start3A_68 = arith.constant 0 : i32
    %dma_start3A_69 = tpu.memref_slice %arg3[%dma_start3A_66, %add3A, %dma_start3A_67, %dma_start3A_68] : memref<2x32x125x80xi32, #tpu.memory_space<hbm>> -> memref<1x1x1x80xi32, #tpu.memory_space<hbm>>
    %dma_start3A_70 = tpu.memref_squeeze %dma_start3A_69 : memref<1x1x1x80xi32, #tpu.memory_space<hbm>> -> memref<80xi32, #tpu.memory_space<hbm>>
    %dma_start3A_71 = arith.constant 0 : i32
    %dma_start3A_72 = tpu.memref_slice %arg3[%dma_start3A_66, %add3A, %dma_start3A_67, %dma_start3A_71] : memref<2x32x125x80xi32, #tpu.memory_space<hbm>> -> memref<1x1x1x80xi32, #tpu.memory_space<hbm>>
    %dma_start3A_73 = tpu.memref_squeeze %dma_start3A_72 : memref<1x1x1x80xi32, #tpu.memory_space<hbm>> -> memref<80xi32, #tpu.memory_space<hbm>>
    tpu.enqueue_dma source(%dma_start3A_73 : memref<80xi32, #tpu.memory_space<hbm>>) target(%arg21 : memref<80xi32, #tpu.memory_space<vmem>>) target_semaphore(%arg44 : memref<!tpu.dma_semaphore, #tpu.memory_space<semaphore_mem>>)
    %dma_start3A_74 = arith.constant 0 : i32
    %dma_start3A_75 = arith.constant 2 : i32
    %dma_start3A_76 = arith.constant 0 : i32
    %dma_start3A_77 = tpu.memref_slice %arg3[%dma_start3A_74, %add3A, %dma_start3A_75, %dma_start3A_76] : memref<2x32x125x80xi32, #tpu.memory_space<hbm>> -> memref<1x1x1x80xi32, #tpu.memory_space<hbm>>
    %dma_start3A_78 = tpu.memref_squeeze %dma_start3A_77 : memref<1x1x1x80xi32, #tpu.memory_space<hbm>> -> memref<80xi32, #tpu.memory_space<hbm>>
    %dma_start3A_79 = arith.constant 0 : i32
    %dma_start3A_80 = tpu.memref_slice %arg3[%dma_start3A_74, %add3A, %dma_start3A_75, %dma_start3A_79] : memref<2x32x125x80xi32, #tpu.memory_space<hbm>> -> memref<1x1x1x80xi32, #tpu.memory_space<hbm>>
    %dma_start3A_81 = tpu.memref_squeeze %dma_start3A_80 : memref<1x1x1x80xi32, #tpu.memory_space<hbm>> -> memref<80xi32, #tpu.memory_space<hbm>>
    tpu.enqueue_dma source(%dma_start3A_81 : memref<80xi32, #tpu.memory_space<hbm>>) target(%arg14 : memref<80xi32, #tpu.memory_space<vmem>>) target_semaphore(%arg37 : memref<!tpu.dma_semaphore, #tpu.memory_space<semaphore_mem>>)
    %dma_start3A_82 = arith.constant 1 : i32
    %dma_start3A_83 = arith.constant 2 : i32
    %dma_start3A_84 = arith.constant 0 : i32
    %dma_start3A_85 = tpu.memref_slice %arg3[%dma_start3A_82, %add3A, %dma_start3A_83, %dma_start3A_84] : memref<2x32x125x80xi32, #tpu.memory_space<hbm>> -> memref<1x1x1x80xi32, #tpu.memory_space<hbm>>
    %dma_start3A_86 = tpu.memref_squeeze %dma_start3A_85 : memref<1x1x1x80xi32, #tpu.memory_space<hbm>> -> memref<80xi32, #tpu.memory_space<hbm>>
    %dma_start3A_87 = arith.constant 0 : i32
    %dma_start3A_88 = tpu.memref_slice %arg3[%dma_start3A_82, %add3A, %dma_start3A_83, %dma_start3A_87] : memref<2x32x125x80xi32, #tpu.memory_space<hbm>> -> memref<1x1x1x80xi32, #tpu.memory_space<hbm>>
    %dma_start3A_89 = tpu.memref_squeeze %dma_start3A_88 : memref<1x1x1x80xi32, #tpu.memory_space<hbm>> -> memref<80xi32, #tpu.memory_space<hbm>>
    tpu.enqueue_dma source(%dma_start3A_89 : memref<80xi32, #tpu.memory_space<hbm>>) target(%arg22 : memref<80xi32, #tpu.memory_space<vmem>>) target_semaphore(%arg45 : memref<!tpu.dma_semaphore, #tpu.memory_space<semaphore_mem>>)
    %dma_start3A_90 = arith.constant 0 : i32
    %dma_start3A_91 = arith.constant 3 : i32
    %dma_start3A_92 = arith.constant 0 : i32
    %dma_start3A_93 = tpu.memref_slice %arg3[%dma_start3A_90, %add3A, %dma_start3A_91, %dma_start3A_92] : memref<2x32x125x80xi32, #tpu.memory_space<hbm>> -> memref<1x1x1x80xi32, #tpu.memory_space<hbm>>
    %dma_start3A_94 = tpu.memref_squeeze %dma_start3A_93 : memref<1x1x1x80xi32, #tpu.memory_space<hbm>> -> memref<80xi32, #tpu.memory_space<hbm>>
    %dma_start3A_95 = arith.constant 0 : i32
    %dma_start3A_96 = tpu.memref_slice %arg3[%dma_start3A_90, %add3A, %dma_start3A_91, %dma_start3A_95] : memref<2x32x125x80xi32, #tpu.memory_space<hbm>> -> memref<1x1x1x80xi32, #tpu.memory_space<hbm>>
    %dma_start3A_97 = tpu.memref_squeeze %dma_start3A_96 : memref<1x1x1x80xi32, #tpu.memory_space<hbm>> -> memref<80xi32, #tpu.memory_space<hbm>>
    tpu.enqueue_dma source(%dma_start3A_97 : memref<80xi32, #tpu.memory_space<hbm>>) target(%arg15 : memref<80xi32, #tpu.memory_space<vmem>>) target_semaphore(%arg38 : memref<!tpu.dma_semaphore, #tpu.memory_space<semaphore_mem>>)
    %dma_start3A_98 = arith.constant 1 : i32
    %dma_start3A_99 = arith.constant 3 : i32
    %dma_start3A_100 = arith.constant 0 : i32
    %dma_start3A_101 = tpu.memref_slice %arg3[%dma_start3A_98, %add3A, %dma_start3A_99, %dma_start3A_100] : memref<2x32x125x80xi32, #tpu.memory_space<hbm>> -> memref<1x1x1x80xi32, #tpu.memory_space<hbm>>
    %dma_start3A_102 = tpu.memref_squeeze %dma_start3A_101 : memref<1x1x1x80xi32, #tpu.memory_space<hbm>> -> memref<80xi32, #tpu.memory_space<hbm>>
    %dma_start3A_103 = arith.constant 0 : i32
    %dma_start3A_104 = tpu.memref_slice %arg3[%dma_start3A_98, %add3A, %dma_start3A_99, %dma_start3A_103] : memref<2x32x125x80xi32, #tpu.memory_space<hbm>> -> memref<1x1x1x80xi32, #tpu.memory_space<hbm>>
    %dma_start3A_105 = tpu.memref_squeeze %dma_start3A_104 : memref<1x1x1x80xi32, #tpu.memory_space<hbm>> -> memref<80xi32, #tpu.memory_space<hbm>>
    tpu.enqueue_dma source(%dma_start3A_105 : memref<80xi32, #tpu.memory_space<hbm>>) target(%arg23 : memref<80xi32, #tpu.memory_space<vmem>>) target_semaphore(%arg46 : memref<!tpu.dma_semaphore, #tpu.memory_space<semaphore_mem>>)
    %dma_start3A_106 = arith.constant 0 : i32
    %dma_start3A_107 = arith.constant 4 : i32
    %dma_start3A_108 = arith.constant 0 : i32
    %dma_start3A_109 = tpu.memref_slice %arg3[%dma_start3A_106, %add3A, %dma_start3A_107, %dma_start3A_108] : memref<2x32x125x80xi32, #tpu.memory_space<hbm>> -> memref<1x1x1x80xi32, #tpu.memory_space<hbm>>
    %dma_start3A_110 = tpu.memref_squeeze %dma_start3A_109 : memref<1x1x1x80xi32, #tpu.memory_space<hbm>> -> memref<80xi32, #tpu.memory_space<hbm>>
    %dma_start3A_111 = arith.constant 0 : i32
    %dma_start3A_112 = tpu.memref_slice %arg3[%dma_start3A_106, %add3A, %dma_start3A_107, %dma_start3A_111] : memref<2x32x125x80xi32, #tpu.memory_space<hbm>> -> memref<1x1x1x80xi32, #tpu.memory_space<hbm>>
    %dma_start3A_113 = tpu.memref_squeeze %dma_start3A_112 : memref<1x1x1x80xi32, #tpu.memory_space<hbm>> -> memref<80xi32, #tpu.memory_space<hbm>>
    tpu.enqueue_dma source(%dma_start3A_113 : memref<80xi32, #tpu.memory_space<hbm>>) target(%arg16 : memref<80xi32, #tpu.memory_space<vmem>>) target_semaphore(%arg39 : memref<!tpu.dma_semaphore, #tpu.memory_space<semaphore_mem>>)
    %dma_start3A_114 = arith.constant 1 : i32
    %dma_start3A_115 = arith.constant 4 : i32
    %dma_start3A_116 = arith.constant 0 : i32
    %dma_start3A_117 = tpu.memref_slice %arg3[%dma_start3A_114, %add3A, %dma_start3A_115, %dma_start3A_116] : memref<2x32x125x80xi32, #tpu.memory_space<hbm>> -> memref<1x1x1x80xi32, #tpu.memory_space<hbm>>
    %dma_start3A_118 = tpu.memref_squeeze %dma_start3A_117 : memref<1x1x1x80xi32, #tpu.memory_space<hbm>> -> memref<80xi32, #tpu.memory_space<hbm>>
    %dma_start3A_119 = arith.constant 0 : i32
    %dma_start3A_120 = tpu.memref_slice %arg3[%dma_start3A_114, %add3A, %dma_start3A_115, %dma_start3A_119] : memref<2x32x125x80xi32, #tpu.memory_space<hbm>> -> memref<1x1x1x80xi32, #tpu.memory_space<hbm>>
    %dma_start3A_121 = tpu.memref_squeeze %dma_start3A_120 : memref<1x1x1x80xi32, #tpu.memory_space<hbm>> -> memref<80xi32, #tpu.memory_space<hbm>>
    tpu.enqueue_dma source(%dma_start3A_121 : memref<80xi32, #tpu.memory_space<hbm>>) target(%arg24 : memref<80xi32, #tpu.memory_space<vmem>>) target_semaphore(%arg47 : memref<!tpu.dma_semaphore, #tpu.memory_space<semaphore_mem>>)
    %dma_start3A_122 = arith.constant 0 : i32
    %dma_start3A_123 = arith.constant 5 : i32
    %dma_start3A_124 = arith.constant 0 : i32
    %dma_start3A_125 = tpu.memref_slice %arg3[%dma_start3A_122, %add3A, %dma_start3A_123, %dma_start3A_124] : memref<2x32x125x80xi32, #tpu.memory_space<hbm>> -> memref<1x1x1x80xi32, #tpu.memory_space<hbm>>
    %dma_start3A_126 = tpu.memref_squeeze %dma_start3A_125 : memref<1x1x1x80xi32, #tpu.memory_space<hbm>> -> memref<80xi32, #tpu.memory_space<hbm>>
    %dma_start3A_127 = arith.constant 0 : i32
    %dma_start3A_128 = tpu.memref_slice %arg3[%dma_start3A_122, %add3A, %dma_start3A_123, %dma_start3A_127] : memref<2x32x125x80xi32, #tpu.memory_space<hbm>> -> memref<1x1x1x80xi32, #tpu.memory_space<hbm>>
    %dma_start3A_129 = tpu.memref_squeeze %dma_start3A_128 : memref<1x1x1x80xi32, #tpu.memory_space<hbm>> -> memref<80xi32, #tpu.memory_space<hbm>>
    tpu.enqueue_dma source(%dma_start3A_129 : memref<80xi32, #tpu.memory_space<hbm>>) target(%arg17 : memref<80xi32, #tpu.memory_space<vmem>>) target_semaphore(%arg40 : memref<!tpu.dma_semaphore, #tpu.memory_space<semaphore_mem>>)
    %dma_start3A_130 = arith.constant 1 : i32
    %dma_start3A_131 = arith.constant 5 : i32
    %dma_start3A_132 = arith.constant 0 : i32
    %dma_start3A_133 = tpu.memref_slice %arg3[%dma_start3A_130, %add3A, %dma_start3A_131, %dma_start3A_132] : memref<2x32x125x80xi32, #tpu.memory_space<hbm>> -> memref<1x1x1x80xi32, #tpu.memory_space<hbm>>
    %dma_start3A_134 = tpu.memref_squeeze %dma_start3A_133 : memref<1x1x1x80xi32, #tpu.memory_space<hbm>> -> memref<80xi32, #tpu.memory_space<hbm>>
    %dma_start3A_135 = arith.constant 0 : i32
    %dma_start3A_136 = tpu.memref_slice %arg3[%dma_start3A_130, %add3A, %dma_start3A_131, %dma_start3A_135] : memref<2x32x125x80xi32, #tpu.memory_space<hbm>> -> memref<1x1x1x80xi32, #tpu.memory_space<hbm>>
    %dma_start3A_137 = tpu.memref_squeeze %dma_start3A_136 : memref<1x1x1x80xi32, #tpu.memory_space<hbm>> -> memref<80xi32, #tpu.memory_space<hbm>>
    tpu.enqueue_dma source(%dma_start3A_137 : memref<80xi32, #tpu.memory_space<hbm>>) target(%arg25 : memref<80xi32, #tpu.memory_space<vmem>>) target_semaphore(%arg48 : memref<!tpu.dma_semaphore, #tpu.memory_space<semaphore_mem>>)
    %dma_start3A_138 = arith.constant 0 : i32
    %dma_start3A_139 = arith.constant 6 : i32
    %dma_start3A_140 = arith.constant 0 : i32
    %dma_start3A_141 = tpu.memref_slice %arg3[%dma_start3A_138, %add3A, %dma_start3A_139, %dma_start3A_140] : memref<2x32x125x80xi32, #tpu.memory_space<hbm>> -> memref<1x1x1x80xi32, #tpu.memory_space<hbm>>
    %dma_start3A_142 = tpu.memref_squeeze %dma_start3A_141 : memref<1x1x1x80xi32, #tpu.memory_space<hbm>> -> memref<80xi32, #tpu.memory_space<hbm>>
    %dma_start3A_143 = arith.constant 0 : i32
    %dma_start3A_144 = tpu.memref_slice %arg3[%dma_start3A_138, %add3A, %dma_start3A_139, %dma_start3A_143] : memref<2x32x125x80xi32, #tpu.memory_space<hbm>> -> memref<1x1x1x80xi32, #tpu.memory_space<hbm>>
    %dma_start3A_145 = tpu.memref_squeeze %dma_start3A_144 : memref<1x1x1x80xi32, #tpu.memory_space<hbm>> -> memref<80xi32, #tpu.memory_space<hbm>>
    tpu.enqueue_dma source(%dma_start3A_145 : memref<80xi32, #tpu.memory_space<hbm>>) target(%arg18 : memref<80xi32, #tpu.memory_space<vmem>>) target_semaphore(%arg41 : memref<!tpu.dma_semaphore, #tpu.memory_space<semaphore_mem>>)
    %dma_start3A_146 = arith.constant 1 : i32
    %dma_start3A_147 = arith.constant 6 : i32
    %dma_start3A_148 = arith.constant 0 : i32
    %dma_start3A_149 = tpu.memref_slice %arg3[%dma_start3A_146, %add3A, %dma_start3A_147, %dma_start3A_148] : memref<2x32x125x80xi32, #tpu.memory_space<hbm>> -> memref<1x1x1x80xi32, #tpu.memory_space<hbm>>
    %dma_start3A_150 = tpu.memref_squeeze %dma_start3A_149 : memref<1x1x1x80xi32, #tpu.memory_space<hbm>> -> memref<80xi32, #tpu.memory_space<hbm>>
    %dma_start3A_151 = arith.constant 0 : i32
    %dma_start3A_152 = tpu.memref_slice %arg3[%dma_start3A_146, %add3A, %dma_start3A_147, %dma_start3A_151] : memref<2x32x125x80xi32, #tpu.memory_space<hbm>> -> memref<1x1x1x80xi32, #tpu.memory_space<hbm>>
    %dma_start3A_153 = tpu.memref_squeeze %dma_start3A_152 : memref<1x1x1x80xi32, #tpu.memory_space<hbm>> -> memref<80xi32, #tpu.memory_space<hbm>>
    tpu.enqueue_dma source(%dma_start3A_153 : memref<80xi32, #tpu.memory_space<hbm>>) target(%arg26 : memref<80xi32, #tpu.memory_space<vmem>>) target_semaphore(%arg49 : memref<!tpu.dma_semaphore, #tpu.memory_space<semaphore_mem>>)
    %dma_start3A_154 = arith.constant 0 : i32
    %dma_start3A_155 = arith.constant 7 : i32
    %dma_start3A_156 = arith.constant 0 : i32
    %dma_start3A_157 = tpu.memref_slice %arg3[%dma_start3A_154, %add3A, %dma_start3A_155, %dma_start3A_156] : memref<2x32x125x80xi32, #tpu.memory_space<hbm>> -> memref<1x1x1x80xi32, #tpu.memory_space<hbm>>
    %dma_start3A_158 = tpu.memref_squeeze %dma_start3A_157 : memref<1x1x1x80xi32, #tpu.memory_space<hbm>> -> memref<80xi32, #tpu.memory_space<hbm>>
    %dma_start3A_159 = arith.constant 0 : i32
    %dma_start3A_160 = tpu.memref_slice %arg3[%dma_start3A_154, %add3A, %dma_start3A_155, %dma_start3A_159] : memref<2x32x125x80xi32, #tpu.memory_space<hbm>> -> memref<1x1x1x80xi32, #tpu.memory_space<hbm>>
    %dma_start3A_161 = tpu.memref_squeeze %dma_start3A_160 : memref<1x1x1x80xi32, #tpu.memory_space<hbm>> -> memref<80xi32, #tpu.memory_space<hbm>>
    tpu.enqueue_dma source(%dma_start3A_161 : memref<80xi32, #tpu.memory_space<hbm>>) target(%arg19 : memref<80xi32, #tpu.memory_space<vmem>>) target_semaphore(%arg42 : memref<!tpu.dma_semaphore, #tpu.memory_space<semaphore_mem>>)
    %dma_start3A_162 = arith.constant 1 : i32
    %dma_start3A_163 = arith.constant 7 : i32
    %dma_start3A_164 = arith.constant 0 : i32
    %dma_start3A_165 = tpu.memref_slice %arg3[%dma_start3A_162, %add3A, %dma_start3A_163, %dma_start3A_164] : memref<2x32x125x80xi32, #tpu.memory_space<hbm>> -> memref<1x1x1x80xi32, #tpu.memory_space<hbm>>
    %dma_start3A_166 = tpu.memref_squeeze %dma_start3A_165 : memref<1x1x1x80xi32, #tpu.memory_space<hbm>> -> memref<80xi32, #tpu.memory_space<hbm>>
    %dma_start3A_167 = arith.constant 0 : i32
    %dma_start3A_168 = tpu.memref_slice %arg3[%dma_start3A_162, %add3A, %dma_start3A_163, %dma_start3A_167] : memref<2x32x125x80xi32, #tpu.memory_space<hbm>> -> memref<1x1x1x80xi32, #tpu.memory_space<hbm>>
    %dma_start3A_169 = tpu.memref_squeeze %dma_start3A_168 : memref<1x1x1x80xi32, #tpu.memory_space<hbm>> -> memref<80xi32, #tpu.memory_space<hbm>>
    tpu.enqueue_dma source(%dma_start3A_169 : memref<80xi32, #tpu.memory_space<hbm>>) target(%arg27 : memref<80xi32, #tpu.memory_space<vmem>>) target_semaphore(%arg50 : memref<!tpu.dma_semaphore, #tpu.memory_space<semaphore_mem>>)
    %dma_wait3A = arith.constant 0 : i32
    %dma_wait3A_170 = arith.constant 0 : i32
    %dma_wait3A_171 = arith.constant 0 : i32
    %dma_wait3A_172 = arith.constant 0 : i32
    %dma_wait3A_173 = tpu.memref_slice %arg3[%dma_wait3A, %dma_wait3A_170, %dma_wait3A_171, %dma_wait3A_172] : memref<2x32x125x80xi32, #tpu.memory_space<hbm>> -> memref<1x1x1x80xi32, #tpu.memory_space<hbm>>
    %dma_wait3A_174 = tpu.memref_squeeze %dma_wait3A_173 : memref<1x1x1x80xi32, #tpu.memory_space<hbm>> -> memref<80xi32, #tpu.memory_space<hbm>>
    %dma_wait3A_175 = arith.constant 0 : i32
    %dma_wait3A_176 = tpu.memref_slice %arg3[%dma_wait3A, %dma_wait3A_170, %dma_wait3A_171, %dma_wait3A_175] : memref<2x32x125x80xi32, #tpu.memory_space<hbm>> -> memref<1x1x1x80xi32, #tpu.memory_space<hbm>>
    %dma_wait3A_177 = tpu.memref_squeeze %dma_wait3A_176 : memref<1x1x1x80xi32, #tpu.memory_space<hbm>> -> memref<80xi32, #tpu.memory_space<hbm>>
    tpu.wait_dma2 semaphore(%arg35 : memref<!tpu.dma_semaphore, #tpu.memory_space<semaphore_mem>>) src(%dma_wait3A_177 : memref<80xi32, #tpu.memory_space<hbm>>) dst(%arg12 : memref<80xi32, #tpu.memory_space<vmem>>)
    %dma_start3A_178 = arith.constant 0 : i32
    %dma_start3A_179 = arith.constant 0 : i32
    %dma_start3A_180 = tpu.memref_slice %arg2[%dma_start3A_178, %dma_start3A_179] : memref<10000x128xf32, #tpu.memory_space<hbm>> -> memref<10000x128xf32, #tpu.memory_space<hbm>>
    tpu.enqueue_indirect_dma source(%dma_start3A_180 : memref<10000x128xf32, #tpu.memory_space<hbm>>) target(%arg8 : memref<80x128xf32, #tpu.memory_space<vmem>>) offsets(%arg12 : memref<80xi32, #tpu.memory_space<vmem>>) semaphore(%arg31 : memref<!tpu.dma_semaphore, #tpu.memory_space<semaphore_mem>>)
    %dma_wait3A_181 = arith.constant 0 : i32
    %dma_wait3A_182 = arith.constant 0 : i32
    %dma_wait3A_183 = arith.constant 0 : i32
    %dma_wait3A_184 = arith.constant 0 : i32
    %dma_wait3A_185 = tpu.memref_slice %arg3[%dma_wait3A_181, %dma_wait3A_182, %dma_wait3A_183, %dma_wait3A_184] : memref<2x32x125x80xi32, #tpu.memory_space<hbm>> -> memref<1x1x1x80xi32, #tpu.memory_space<hbm>>
    %dma_wait3A_186 = tpu.memref_squeeze %dma_wait3A_185 : memref<1x1x1x80xi32, #tpu.memory_space<hbm>> -> memref<80xi32, #tpu.memory_space<hbm>>
    %dma_wait3A_187 = arith.constant 0 : i32
    %dma_wait3A_188 = tpu.memref_slice %arg3[%dma_wait3A_181, %dma_wait3A_182, %dma_wait3A_183, %dma_wait3A_187] : memref<2x32x125x80xi32, #tpu.memory_space<hbm>> -> memref<1x1x1x80xi32, #tpu.memory_space<hbm>>
    %dma_wait3A_189 = tpu.memref_squeeze %dma_wait3A_188 : memref<1x1x1x80xi32, #tpu.memory_space<hbm>> -> memref<80xi32, #tpu.memory_space<hbm>>
    tpu.wait_dma2 semaphore(%arg36 : memref<!tpu.dma_semaphore, #tpu.memory_space<semaphore_mem>>) src(%dma_wait3A_189 : memref<80xi32, #tpu.memory_space<hbm>>) dst(%arg13 : memref<80xi32, #tpu.memory_space<vmem>>)
    %dma_start3A_190 = arith.constant 0 : i32
    %dma_start3A_191 = arith.constant 0 : i32
    %dma_start3A_192 = tpu.memref_slice %arg2[%dma_start3A_190, %dma_start3A_191] : memref<10000x128xf32, #tpu.memory_space<hbm>> -> memref<10000x128xf32, #tpu.memory_space<hbm>>
    tpu.enqueue_indirect_dma source(%dma_start3A_192 : memref<10000x128xf32, #tpu.memory_space<hbm>>) target(%arg9 : memref<80x128xf32, #tpu.memory_space<vmem>>) offsets(%arg13 : memref<80xi32, #tpu.memory_space<vmem>>) semaphore(%arg32 : memref<!tpu.dma_semaphore, #tpu.memory_space<semaphore_mem>>)
    %dma_wait3A_193 = arith.constant 0 : i32
    %dma_wait3A_194 = arith.constant 0 : i32
    %dma_wait3A_195 = arith.constant 0 : i32
    %dma_wait3A_196 = arith.constant 0 : i32
    %dma_wait3A_197 = tpu.memref_slice %arg3[%dma_wait3A_193, %dma_wait3A_194, %dma_wait3A_195, %dma_wait3A_196] : memref<2x32x125x80xi32, #tpu.memory_space<hbm>> -> memref<1x1x1x80xi32, #tpu.memory_space<hbm>>
    %dma_wait3A_198 = tpu.memref_squeeze %dma_wait3A_197 : memref<1x1x1x80xi32, #tpu.memory_space<hbm>> -> memref<80xi32, #tpu.memory_space<hbm>>
    %dma_wait3A_199 = arith.constant 0 : i32
    %dma_wait3A_200 = tpu.memref_slice %arg3[%dma_wait3A_193, %dma_wait3A_194, %dma_wait3A_195, %dma_wait3A_199] : memref<2x32x125x80xi32, #tpu.memory_space<hbm>> -> memref<1x1x1x80xi32, #tpu.memory_space<hbm>>
    %dma_wait3A_201 = tpu.memref_squeeze %dma_wait3A_200 : memref<1x1x1x80xi32, #tpu.memory_space<hbm>> -> memref<80xi32, #tpu.memory_space<hbm>>
    tpu.wait_dma2 semaphore(%arg37 : memref<!tpu.dma_semaphore, #tpu.memory_space<semaphore_mem>>) src(%dma_wait3A_201 : memref<80xi32, #tpu.memory_space<hbm>>) dst(%arg14 : memref<80xi32, #tpu.memory_space<vmem>>)
    %dma_start3A_202 = arith.constant 0 : i32
    %dma_start3A_203 = arith.constant 0 : i32
    %dma_start3A_204 = tpu.memref_slice %arg2[%dma_start3A_202, %dma_start3A_203] : memref<10000x128xf32, #tpu.memory_space<hbm>> -> memref<10000x128xf32, #tpu.memory_space<hbm>>
    tpu.enqueue_indirect_dma source(%dma_start3A_204 : memref<10000x128xf32, #tpu.memory_space<hbm>>) target(%arg10 : memref<80x128xf32, #tpu.memory_space<vmem>>) offsets(%arg14 : memref<80xi32, #tpu.memory_space<vmem>>) semaphore(%arg33 : memref<!tpu.dma_semaphore, #tpu.memory_space<semaphore_mem>>)
    %dma_wait3A_205 = arith.constant 0 : i32
    %dma_wait3A_206 = arith.constant 0 : i32
    %dma_wait3A_207 = arith.constant 0 : i32
    %dma_wait3A_208 = arith.constant 0 : i32
    %dma_wait3A_209 = tpu.memref_slice %arg3[%dma_wait3A_205, %dma_wait3A_206, %dma_wait3A_207, %dma_wait3A_208] : memref<2x32x125x80xi32, #tpu.memory_space<hbm>> -> memref<1x1x1x80xi32, #tpu.memory_space<hbm>>
    %dma_wait3A_210 = tpu.memref_squeeze %dma_wait3A_209 : memref<1x1x1x80xi32, #tpu.memory_space<hbm>> -> memref<80xi32, #tpu.memory_space<hbm>>
    %dma_wait3A_211 = arith.constant 0 : i32
    %dma_wait3A_212 = tpu.memref_slice %arg3[%dma_wait3A_205, %dma_wait3A_206, %dma_wait3A_207, %dma_wait3A_211] : memref<2x32x125x80xi32, #tpu.memory_space<hbm>> -> memref<1x1x1x80xi32, #tpu.memory_space<hbm>>
    %dma_wait3A_213 = tpu.memref_squeeze %dma_wait3A_212 : memref<1x1x1x80xi32, #tpu.memory_space<hbm>> -> memref<80xi32, #tpu.memory_space<hbm>>
    tpu.wait_dma2 semaphore(%arg38 : memref<!tpu.dma_semaphore, #tpu.memory_space<semaphore_mem>>) src(%dma_wait3A_213 : memref<80xi32, #tpu.memory_space<hbm>>) dst(%arg15 : memref<80xi32, #tpu.memory_space<vmem>>)
    %dma_start3A_214 = arith.constant 0 : i32
    %dma_start3A_215 = arith.constant 0 : i32
    %dma_start3A_216 = tpu.memref_slice %arg2[%dma_start3A_214, %dma_start3A_215] : memref<10000x128xf32, #tpu.memory_space<hbm>> -> memref<10000x128xf32, #tpu.memory_space<hbm>>
    tpu.enqueue_indirect_dma source(%dma_start3A_216 : memref<10000x128xf32, #tpu.memory_space<hbm>>) target(%arg11 : memref<80x128xf32, #tpu.memory_space<vmem>>) offsets(%arg15 : memref<80xi32, #tpu.memory_space<vmem>>) semaphore(%arg34 : memref<!tpu.dma_semaphore, #tpu.memory_space<semaphore_mem>>)
    %scan3A = arith.constant 0 : i32
    %scan3A_217 = arith.constant 125 : i32
    %scan3A_218 = arith.addi %scan3A, %scan3A_217 : i32
    %scan3A_219 = arith.constant 1 : i32
    scf.for %scan3A_231 = %scan3A to %scan3A_218 step %scan3A_219  : i32 {
      %mul3A_232 = arith.constant 1 : i32
      %mul3A_233 = arith.muli %scan3A_231, %mul3A_232 : i32
      %add3A_234 = arith.constant 0 : i32
      %add3A_235 = arith.addi %add3A_234, %mul3A_233 : i32
      %rem3A = arith.constant 8 : i32
      %rem3A_236 = arith.remsi %add3A_235, %rem3A : i32
      %eq3A_237 = arith.constant 0 : i32
      %eq3A_238 = arith.cmpi eq, %rem3A_236, %eq3A_237 : i32
      %convert_element_type3A_239 = arith.extui %eq3A_238 : i1 to i32
      %cond3A_240 = arith.constant 0 : i32
      %cond3A_241 = arith.cmpi ne, %convert_element_type3A_239, %cond3A_240 : i32
      scf.if %cond3A_241 {
        %dma_wait3A_277 = arith.constant 0 : i32
        %dma_wait3A_278 = arith.constant 0 : i32
        %dma_wait3A_279 = tpu.memref_slice %arg2[%dma_wait3A_277, %dma_wait3A_278] : memref<10000x128xf32, #tpu.memory_space<hbm>> -> memref<80x128xf32, #tpu.memory_space<hbm>>
        %dma_wait3A_280 = arith.constant 0 : i32
        %dma_wait3A_281 = arith.constant 0 : i32
        %dma_wait3A_282 = tpu.memref_slice %arg2[%dma_wait3A_280, %dma_wait3A_281] : memref<10000x128xf32, #tpu.memory_space<hbm>> -> memref<80x128xf32, #tpu.memory_space<hbm>>
        tpu.wait_dma2 semaphore(%arg31 : memref<!tpu.dma_semaphore, #tpu.memory_space<semaphore_mem>>) src(%dma_wait3A_282 : memref<80x128xf32, #tpu.memory_space<hbm>>) dst(%arg8 : memref<80x128xf32, #tpu.memory_space<vmem>>)
        %dma_wait3A_283 = arith.constant 1 : i32
        %dma_wait3A_284 = arith.constant 0 : i32
        %dma_wait3A_285 = arith.constant 0 : i32
        %dma_wait3A_286 = arith.constant 0 : i32
        %dma_wait3A_287 = tpu.memref_slice %arg3[%dma_wait3A_283, %dma_wait3A_284, %dma_wait3A_285, %dma_wait3A_286] : memref<2x32x125x80xi32, #tpu.memory_space<hbm>> -> memref<1x1x1x80xi32, #tpu.memory_space<hbm>>
        %dma_wait3A_288 = tpu.memref_squeeze %dma_wait3A_287 : memref<1x1x1x80xi32, #tpu.memory_space<hbm>> -> memref<80xi32, #tpu.memory_space<hbm>>
        %dma_wait3A_289 = arith.constant 0 : i32
        %dma_wait3A_290 = tpu.memref_slice %arg3[%dma_wait3A_283, %dma_wait3A_284, %dma_wait3A_285, %dma_wait3A_289] : memref<2x32x125x80xi32, #tpu.memory_space<hbm>> -> memref<1x1x1x80xi32, #tpu.memory_space<hbm>>
        %dma_wait3A_291 = tpu.memref_squeeze %dma_wait3A_290 : memref<1x1x1x80xi32, #tpu.memory_space<hbm>> -> memref<80xi32, #tpu.memory_space<hbm>>
        tpu.wait_dma2 semaphore(%arg43 : memref<!tpu.dma_semaphore, #tpu.memory_space<semaphore_mem>>) src(%dma_wait3A_291 : memref<80xi32, #tpu.memory_space<hbm>>) dst(%arg20 : memref<80xi32, #tpu.memory_space<vmem>>)
        "tpu.region"() ({
          %run_scoped3A = tpu.sem_alloc : memref<!tpu.dma_semaphore, #tpu.memory_space<semaphore_mem>>
          %dma_start3A_305 = arith.constant 0 : i32
          %dma_start3A_306 = arith.constant 0 : i32
          %dma_start3A_307 = tpu.memref_slice %arg29[%dma_start3A_305, %dma_start3A_306] : memref<10000x128xf32, #tpu.memory_space<vmem_shared>> -> memref<10000x128xf32, #tpu.memory_space<vmem_shared>>
          tpu.enqueue_indirect_dma source(%arg8 : memref<80x128xf32, #tpu.memory_space<vmem>>) target(%dma_start3A_307 : memref<10000x128xf32, #tpu.memory_space<vmem_shared>>) offsets(%arg20 : memref<80xi32, #tpu.memory_space<vmem>>) semaphore(%run_scoped3A : memref<!tpu.dma_semaphore, #tpu.memory_space<semaphore_mem>>) {add = true}
          %dma_wait3A_308 = arith.constant 0 : i32
          %dma_wait3A_309 = arith.constant 0 : i32
          %dma_wait3A_310 = tpu.memref_slice %arg29[%dma_wait3A_308, %dma_wait3A_309] : memref<10000x128xf32, #tpu.memory_space<vmem_shared>> -> memref<10000x128xf32, #tpu.memory_space<vmem_shared>>
          tpu.wait_indirect_dma semaphore(%run_scoped3A : memref<!tpu.dma_semaphore, #tpu.memory_space<semaphore_mem>>) src(%arg8 : memref<80x128xf32, #tpu.memory_space<vmem>>) dst(%dma_wait3A_310 : memref<10000x128xf32, #tpu.memory_space<vmem_shared>>)
          tpu.yield
        }) : () -> ()
        "tpu.region"() ({
          %run_scoped3A = tpu.sem_alloc : memref<!tpu.dma_semaphore, #tpu.memory_space<semaphore_mem>>
          %dma_start3A_305 = arith.constant 0 : i32
          %dma_start3A_306 = tpu.memref_slice %arg30[%dma_start3A_305] : memref<10000xf32, #tpu.memory_space<vmem_shared>> -> memref<10000xf32, #tpu.memory_space<vmem_shared>>
          tpu.enqueue_indirect_dma source(%arg28 : memref<80xf32, #tpu.memory_space<vmem>>) target(%dma_start3A_306 : memref<10000xf32, #tpu.memory_space<vmem_shared>>) offsets(%arg20 : memref<80xi32, #tpu.memory_space<vmem>>) semaphore(%run_scoped3A : memref<!tpu.dma_semaphore, #tpu.memory_space<semaphore_mem>>) {add = true}
          %dma_wait3A_307 = arith.constant 0 : i32
          %dma_wait3A_308 = tpu.memref_slice %arg30[%dma_wait3A_307] : memref<10000xf32, #tpu.memory_space<vmem_shared>> -> memref<10000xf32, #tpu.memory_space<vmem_shared>>
          tpu.wait_indirect_dma semaphore(%run_scoped3A : memref<!tpu.dma_semaphore, #tpu.memory_space<semaphore_mem>>) src(%arg28 : memref<80xf32, #tpu.memory_space<vmem>>) dst(%dma_wait3A_308 : memref<10000xf32, #tpu.memory_space<vmem_shared>>)
          tpu.yield
        }) : () -> ()
        %add3A_292 = arith.constant 4 : i32
        %add3A_293 = arith.addi %add3A_235, %add3A_292 : i32
        %lt3A = arith.constant 125 : i32
        %lt3A_294 = arith.cmpi slt, %add3A_293, %lt3A : i32
        %convert_element_type3A_295 = arith.extui %lt3A_294 : i1 to i32
        %cond3A_296 = arith.constant 0 : i32
        %cond3A_297 = arith.cmpi ne, %convert_element_type3A_295, %cond3A_296 : i32
        scf.if %cond3A_297 {
          %add3A_305 = arith.constant 4 : i32
          %add3A_306 = arith.addi %add3A_235, %add3A_305 : i32
          %dma_wait3A_307 = arith.constant 0 : i32
          %dma_wait3A_308 = arith.constant 0 : i32
          %dma_wait3A_309 = arith.constant 0 : i32
          %dma_wait3A_310 = arith.constant 0 : i32
          %dma_wait3A_311 = tpu.memref_slice %arg3[%dma_wait3A_307, %dma_wait3A_308, %dma_wait3A_309, %dma_wait3A_310] : memref<2x32x125x80xi32, #tpu.memory_space<hbm>> -> memref<1x1x1x80xi32, #tpu.memory_space<hbm>>
          %dma_wait3A_312 = tpu.memref_squeeze %dma_wait3A_311 : memref<1x1x1x80xi32, #tpu.memory_space<hbm>> -> memref<80xi32, #tpu.memory_space<hbm>>
          %dma_wait3A_313 = arith.constant 0 : i32
          %dma_wait3A_314 = tpu.memref_slice %arg3[%dma_wait3A_307, %dma_wait3A_308, %dma_wait3A_309, %dma_wait3A_313] : memref<2x32x125x80xi32, #tpu.memory_space<hbm>> -> memref<1x1x1x80xi32, #tpu.memory_space<hbm>>
          %dma_wait3A_315 = tpu.memref_squeeze %dma_wait3A_314 : memref<1x1x1x80xi32, #tpu.memory_space<hbm>> -> memref<80xi32, #tpu.memory_space<hbm>>
          tpu.wait_dma2 semaphore(%arg39 : memref<!tpu.dma_semaphore, #tpu.memory_space<semaphore_mem>>) src(%dma_wait3A_315 : memref<80xi32, #tpu.memory_space<hbm>>) dst(%arg16 : memref<80xi32, #tpu.memory_space<vmem>>)
          %dma_start3A_316 = arith.constant 0 : i32
          %dma_start3A_317 = arith.constant 0 : i32
          %dma_start3A_318 = tpu.memref_slice %arg2[%dma_start3A_316, %dma_start3A_317] : memref<10000x128xf32, #tpu.memory_space<hbm>> -> memref<10000x128xf32, #tpu.memory_space<hbm>>
          tpu.enqueue_indirect_dma source(%dma_start3A_318 : memref<10000x128xf32, #tpu.memory_space<hbm>>) target(%arg8 : memref<80x128xf32, #tpu.memory_space<vmem>>) offsets(%arg16 : memref<80xi32, #tpu.memory_space<vmem>>) semaphore(%arg31 : memref<!tpu.dma_semaphore, #tpu.memory_space<semaphore_mem>>)
        } else {
        }
        %add3A_298 = arith.constant 8 : i32
        %add3A_299 = arith.addi %add3A_235, %add3A_298 : i32
        %lt3A_300 = arith.constant 125 : i32
        %lt3A_301 = arith.cmpi slt, %add3A_299, %lt3A_300 : i32
        %convert_element_type3A_302 = arith.extui %lt3A_301 : i1 to i32
        %cond3A_303 = arith.constant 0 : i32
        %cond3A_304 = arith.cmpi ne, %convert_element_type3A_302, %cond3A_303 : i32
        scf.if %cond3A_304 {
          %add3A_305 = arith.constant 8 : i32
          %add3A_306 = arith.addi %add3A_235, %add3A_305 : i32
          %dma_start3A_307 = arith.constant 0 : i32
          %dma_start3A_308 = arith.constant 0 : i32
          %dma_start3A_309 = tpu.memref_slice %arg3[%dma_start3A_307, %add3A, %add3A_306, %dma_start3A_308] : memref<2x32x125x80xi32, #tpu.memory_space<hbm>> -> memref<1x1x1x80xi32, #tpu.memory_space<hbm>>
          %dma_start3A_310 = tpu.memref_squeeze %dma_start3A_309 : memref<1x1x1x80xi32, #tpu.memory_space<hbm>> -> memref<80xi32, #tpu.memory_space<hbm>>
          %dma_start3A_311 = arith.constant 0 : i32
          %dma_start3A_312 = tpu.memref_slice %arg3[%dma_start3A_307, %add3A, %add3A_306, %dma_start3A_311] : memref<2x32x125x80xi32, #tpu.memory_space<hbm>> -> memref<1x1x1x80xi32, #tpu.memory_space<hbm>>
          %dma_start3A_313 = tpu.memref_squeeze %dma_start3A_312 : memref<1x1x1x80xi32, #tpu.memory_space<hbm>> -> memref<80xi32, #tpu.memory_space<hbm>>
          tpu.enqueue_dma source(%dma_start3A_313 : memref<80xi32, #tpu.memory_space<hbm>>) target(%arg12 : memref<80xi32, #tpu.memory_space<vmem>>) target_semaphore(%arg35 : memref<!tpu.dma_semaphore, #tpu.memory_space<semaphore_mem>>)
          %dma_start3A_314 = arith.constant 1 : i32
          %dma_start3A_315 = arith.constant 0 : i32
          %dma_start3A_316 = tpu.memref_slice %arg3[%dma_start3A_314, %add3A, %add3A_306, %dma_start3A_315] : memref<2x32x125x80xi32, #tpu.memory_space<hbm>> -> memref<1x1x1x80xi32, #tpu.memory_space<hbm>>
          %dma_start3A_317 = tpu.memref_squeeze %dma_start3A_316 : memref<1x1x1x80xi32, #tpu.memory_space<hbm>> -> memref<80xi32, #tpu.memory_space<hbm>>
          %dma_start3A_318 = arith.constant 0 : i32
          %dma_start3A_319 = tpu.memref_slice %arg3[%dma_start3A_314, %add3A, %add3A_306, %dma_start3A_318] : memref<2x32x125x80xi32, #tpu.memory_space<hbm>> -> memref<1x1x1x80xi32, #tpu.memory_space<hbm>>
          %dma_start3A_320 = tpu.memref_squeeze %dma_start3A_319 : memref<1x1x1x80xi32, #tpu.memory_space<hbm>> -> memref<80xi32, #tpu.memory_space<hbm>>
          tpu.enqueue_dma source(%dma_start3A_320 : memref<80xi32, #tpu.memory_space<hbm>>) target(%arg20 : memref<80xi32, #tpu.memory_space<vmem>>) target_semaphore(%arg43 : memref<!tpu.dma_semaphore, #tpu.memory_space<semaphore_mem>>)
        } else {
        }
      } else {
      }
      %eq3A_242 = arith.constant 1 : i32
      %eq3A_243 = arith.cmpi eq, %rem3A_236, %eq3A_242 : i32
      %convert_element_type3A_244 = arith.extui %eq3A_243 : i1 to i32
      %cond3A_245 = arith.constant 0 : i32
      %cond3A_246 = arith.cmpi ne, %convert_element_type3A_244, %cond3A_245 : i32
      scf.if %cond3A_246 {
        %dma_wait3A_277 = arith.constant 0 : i32
        %dma_wait3A_278 = arith.constant 0 : i32
        %dma_wait3A_279 = tpu.memref_slice %arg2[%dma_wait3A_277, %dma_wait3A_278] : memref<10000x128xf32, #tpu.memory_space<hbm>> -> memref<80x128xf32, #tpu.memory_space<hbm>>
        %dma_wait3A_280 = arith.constant 0 : i32
        %dma_wait3A_281 = arith.constant 0 : i32
        %dma_wait3A_282 = tpu.memref_slice %arg2[%dma_wait3A_280, %dma_wait3A_281] : memref<10000x128xf32, #tpu.memory_space<hbm>> -> memref<80x128xf32, #tpu.memory_space<hbm>>
        tpu.wait_dma2 semaphore(%arg32 : memref<!tpu.dma_semaphore, #tpu.memory_space<semaphore_mem>>) src(%dma_wait3A_282 : memref<80x128xf32, #tpu.memory_space<hbm>>) dst(%arg9 : memref<80x128xf32, #tpu.memory_space<vmem>>)
        %dma_wait3A_283 = arith.constant 1 : i32
        %dma_wait3A_284 = arith.constant 0 : i32
        %dma_wait3A_285 = arith.constant 0 : i32
        %dma_wait3A_286 = arith.constant 0 : i32
        %dma_wait3A_287 = tpu.memref_slice %arg3[%dma_wait3A_283, %dma_wait3A_284, %dma_wait3A_285, %dma_wait3A_286] : memref<2x32x125x80xi32, #tpu.memory_space<hbm>> -> memref<1x1x1x80xi32, #tpu.memory_space<hbm>>
        %dma_wait3A_288 = tpu.memref_squeeze %dma_wait3A_287 : memref<1x1x1x80xi32, #tpu.memory_space<hbm>> -> memref<80xi32, #tpu.memory_space<hbm>>
        %dma_wait3A_289 = arith.constant 0 : i32
        %dma_wait3A_290 = tpu.memref_slice %arg3[%dma_wait3A_283, %dma_wait3A_284, %dma_wait3A_285, %dma_wait3A_289] : memref<2x32x125x80xi32, #tpu.memory_space<hbm>> -> memref<1x1x1x80xi32, #tpu.memory_space<hbm>>
        %dma_wait3A_291 = tpu.memref_squeeze %dma_wait3A_290 : memref<1x1x1x80xi32, #tpu.memory_space<hbm>> -> memref<80xi32, #tpu.memory_space<hbm>>
        tpu.wait_dma2 semaphore(%arg44 : memref<!tpu.dma_semaphore, #tpu.memory_space<semaphore_mem>>) src(%dma_wait3A_291 : memref<80xi32, #tpu.memory_space<hbm>>) dst(%arg21 : memref<80xi32, #tpu.memory_space<vmem>>)
        "tpu.region"() ({
          %run_scoped3A = tpu.sem_alloc : memref<!tpu.dma_semaphore, #tpu.memory_space<semaphore_mem>>
          %dma_start3A_305 = arith.constant 0 : i32
          %dma_start3A_306 = arith.constant 0 : i32
          %dma_start3A_307 = tpu.memref_slice %arg29[%dma_start3A_305, %dma_start3A_306] : memref<10000x128xf32, #tpu.memory_space<vmem_shared>> -> memref<10000x128xf32, #tpu.memory_space<vmem_shared>>
          tpu.enqueue_indirect_dma source(%arg9 : memref<80x128xf32, #tpu.memory_space<vmem>>) target(%dma_start3A_307 : memref<10000x128xf32, #tpu.memory_space<vmem_shared>>) offsets(%arg21 : memref<80xi32, #tpu.memory_space<vmem>>) semaphore(%run_scoped3A : memref<!tpu.dma_semaphore, #tpu.memory_space<semaphore_mem>>) {add = true}
          %dma_wait3A_308 = arith.constant 0 : i32
          %dma_wait3A_309 = arith.constant 0 : i32
          %dma_wait3A_310 = tpu.memref_slice %arg29[%dma_wait3A_308, %dma_wait3A_309] : memref<10000x128xf32, #tpu.memory_space<vmem_shared>> -> memref<10000x128xf32, #tpu.memory_space<vmem_shared>>
          tpu.wait_indirect_dma semaphore(%run_scoped3A : memref<!tpu.dma_semaphore, #tpu.memory_space<semaphore_mem>>) src(%arg9 : memref<80x128xf32, #tpu.memory_space<vmem>>) dst(%dma_wait3A_310 : memref<10000x128xf32, #tpu.memory_space<vmem_shared>>)
          tpu.yield
        }) : () -> ()
        "tpu.region"() ({
          %run_scoped3A = tpu.sem_alloc : memref<!tpu.dma_semaphore, #tpu.memory_space<semaphore_mem>>
          %dma_start3A_305 = arith.constant 0 : i32
          %dma_start3A_306 = tpu.memref_slice %arg30[%dma_start3A_305] : memref<10000xf32, #tpu.memory_space<vmem_shared>> -> memref<10000xf32, #tpu.memory_space<vmem_shared>>
          tpu.enqueue_indirect_dma source(%arg28 : memref<80xf32, #tpu.memory_space<vmem>>) target(%dma_start3A_306 : memref<10000xf32, #tpu.memory_space<vmem_shared>>) offsets(%arg21 : memref<80xi32, #tpu.memory_space<vmem>>) semaphore(%run_scoped3A : memref<!tpu.dma_semaphore, #tpu.memory_space<semaphore_mem>>) {add = true}
          %dma_wait3A_307 = arith.constant 0 : i32
          %dma_wait3A_308 = tpu.memref_slice %arg30[%dma_wait3A_307] : memref<10000xf32, #tpu.memory_space<vmem_shared>> -> memref<10000xf32, #tpu.memory_space<vmem_shared>>
          tpu.wait_indirect_dma semaphore(%run_scoped3A : memref<!tpu.dma_semaphore, #tpu.memory_space<semaphore_mem>>) src(%arg28 : memref<80xf32, #tpu.memory_space<vmem>>) dst(%dma_wait3A_308 : memref<10000xf32, #tpu.memory_space<vmem_shared>>)
          tpu.yield
        }) : () -> ()
        %add3A_292 = arith.constant 4 : i32
        %add3A_293 = arith.addi %add3A_235, %add3A_292 : i32
        %lt3A = arith.constant 125 : i32
        %lt3A_294 = arith.cmpi slt, %add3A_293, %lt3A : i32
        %convert_element_type3A_295 = arith.extui %lt3A_294 : i1 to i32
        %cond3A_296 = arith.constant 0 : i32
        %cond3A_297 = arith.cmpi ne, %convert_element_type3A_295, %cond3A_296 : i32
        scf.if %cond3A_297 {
          %add3A_305 = arith.constant 4 : i32
          %add3A_306 = arith.addi %add3A_235, %add3A_305 : i32
          %dma_wait3A_307 = arith.constant 0 : i32
          %dma_wait3A_308 = arith.constant 0 : i32
          %dma_wait3A_309 = arith.constant 0 : i32
          %dma_wait3A_310 = arith.constant 0 : i32
          %dma_wait3A_311 = tpu.memref_slice %arg3[%dma_wait3A_307, %dma_wait3A_308, %dma_wait3A_309, %dma_wait3A_310] : memref<2x32x125x80xi32, #tpu.memory_space<hbm>> -> memref<1x1x1x80xi32, #tpu.memory_space<hbm>>
          %dma_wait3A_312 = tpu.memref_squeeze %dma_wait3A_311 : memref<1x1x1x80xi32, #tpu.memory_space<hbm>> -> memref<80xi32, #tpu.memory_space<hbm>>
          %dma_wait3A_313 = arith.constant 0 : i32
          %dma_wait3A_314 = tpu.memref_slice %arg3[%dma_wait3A_307, %dma_wait3A_308, %dma_wait3A_309, %dma_wait3A_313] : memref<2x32x125x80xi32, #tpu.memory_space<hbm>> -> memref<1x1x1x80xi32, #tpu.memory_space<hbm>>
          %dma_wait3A_315 = tpu.memref_squeeze %dma_wait3A_314 : memref<1x1x1x80xi32, #tpu.memory_space<hbm>> -> memref<80xi32, #tpu.memory_space<hbm>>
          tpu.wait_dma2 semaphore(%arg40 : memref<!tpu.dma_semaphore, #tpu.memory_space<semaphore_mem>>) src(%dma_wait3A_315 : memref<80xi32, #tpu.memory_space<hbm>>) dst(%arg17 : memref<80xi32, #tpu.memory_space<vmem>>)
          %dma_start3A_316 = arith.constant 0 : i32
          %dma_start3A_317 = arith.constant 0 : i32
          %dma_start3A_318 = tpu.memref_slice %arg2[%dma_start3A_316, %dma_start3A_317] : memref<10000x128xf32, #tpu.memory_space<hbm>> -> memref<10000x128xf32, #tpu.memory_space<hbm>>
          tpu.enqueue_indirect_dma source(%dma_start3A_318 : memref<10000x128xf32, #tpu.memory_space<hbm>>) target(%arg9 : memref<80x128xf32, #tpu.memory_space<vmem>>) offsets(%arg17 : memref<80xi32, #tpu.memory_space<vmem>>) semaphore(%arg32 : memref<!tpu.dma_semaphore, #tpu.memory_space<semaphore_mem>>)
        } else {
        }
        %add3A_298 = arith.constant 8 : i32
        %add3A_299 = arith.addi %add3A_235, %add3A_298 : i32
        %lt3A_300 = arith.constant 125 : i32
        %lt3A_301 = arith.cmpi slt, %add3A_299, %lt3A_300 : i32
        %convert_element_type3A_302 = arith.extui %lt3A_301 : i1 to i32
        %cond3A_303 = arith.constant 0 : i32
        %cond3A_304 = arith.cmpi ne, %convert_element_type3A_302, %cond3A_303 : i32
        scf.if %cond3A_304 {
          %add3A_305 = arith.constant 8 : i32
          %add3A_306 = arith.addi %add3A_235, %add3A_305 : i32
          %dma_start3A_307 = arith.constant 0 : i32
          %dma_start3A_308 = arith.constant 0 : i32
          %dma_start3A_309 = tpu.memref_slice %arg3[%dma_start3A_307, %add3A, %add3A_306, %dma_start3A_308] : memref<2x32x125x80xi32, #tpu.memory_space<hbm>> -> memref<1x1x1x80xi32, #tpu.memory_space<hbm>>
          %dma_start3A_310 = tpu.memref_squeeze %dma_start3A_309 : memref<1x1x1x80xi32, #tpu.memory_space<hbm>> -> memref<80xi32, #tpu.memory_space<hbm>>
          %dma_start3A_311 = arith.constant 0 : i32
          %dma_start3A_312 = tpu.memref_slice %arg3[%dma_start3A_307, %add3A, %add3A_306, %dma_start3A_311] : memref<2x32x125x80xi32, #tpu.memory_space<hbm>> -> memref<1x1x1x80xi32, #tpu.memory_space<hbm>>
          %dma_start3A_313 = tpu.memref_squeeze %dma_start3A_312 : memref<1x1x1x80xi32, #tpu.memory_space<hbm>> -> memref<80xi32, #tpu.memory_space<hbm>>
          tpu.enqueue_dma source(%dma_start3A_313 : memref<80xi32, #tpu.memory_space<hbm>>) target(%arg13 : memref<80xi32, #tpu.memory_space<vmem>>) target_semaphore(%arg36 : memref<!tpu.dma_semaphore, #tpu.memory_space<semaphore_mem>>)
          %dma_start3A_314 = arith.constant 1 : i32
          %dma_start3A_315 = arith.constant 0 : i32
          %dma_start3A_316 = tpu.memref_slice %arg3[%dma_start3A_314, %add3A, %add3A_306, %dma_start3A_315] : memref<2x32x125x80xi32, #tpu.memory_space<hbm>> -> memref<1x1x1x80xi32, #tpu.memory_space<hbm>>
          %dma_start3A_317 = tpu.memref_squeeze %dma_start3A_316 : memref<1x1x1x80xi32, #tpu.memory_space<hbm>> -> memref<80xi32, #tpu.memory_space<hbm>>
          %dma_start3A_318 = arith.constant 0 : i32
          %dma_start3A_319 = tpu.memref_slice %arg3[%dma_start3A_314, %add3A, %add3A_306, %dma_start3A_318] : memref<2x32x125x80xi32, #tpu.memory_space<hbm>> -> memref<1x1x1x80xi32, #tpu.memory_space<hbm>>
          %dma_start3A_320 = tpu.memref_squeeze %dma_start3A_319 : memref<1x1x1x80xi32, #tpu.memory_space<hbm>> -> memref<80xi32, #tpu.memory_space<hbm>>
          tpu.enqueue_dma source(%dma_start3A_320 : memref<80xi32, #tpu.memory_space<hbm>>) target(%arg21 : memref<80xi32, #tpu.memory_space<vmem>>) target_semaphore(%arg44 : memref<!tpu.dma_semaphore, #tpu.memory_space<semaphore_mem>>)
        } else {
        }
      } else {
      }
      %eq3A_247 = arith.constant 2 : i32
      %eq3A_248 = arith.cmpi eq, %rem3A_236, %eq3A_247 : i32
      %convert_element_type3A_249 = arith.extui %eq3A_248 : i1 to i32
      %cond3A_250 = arith.constant 0 : i32
      %cond3A_251 = arith.cmpi ne, %convert_element_type3A_249, %cond3A_250 : i32
      scf.if %cond3A_251 {
        %dma_wait3A_277 = arith.constant 0 : i32
        %dma_wait3A_278 = arith.constant 0 : i32
        %dma_wait3A_279 = tpu.memref_slice %arg2[%dma_wait3A_277, %dma_wait3A_278] : memref<10000x128xf32, #tpu.memory_space<hbm>> -> memref<80x128xf32, #tpu.memory_space<hbm>>
        %dma_wait3A_280 = arith.constant 0 : i32
        %dma_wait3A_281 = arith.constant 0 : i32
        %dma_wait3A_282 = tpu.memref_slice %arg2[%dma_wait3A_280, %dma_wait3A_281] : memref<10000x128xf32, #tpu.memory_space<hbm>> -> memref<80x128xf32, #tpu.memory_space<hbm>>
        tpu.wait_dma2 semaphore(%arg33 : memref<!tpu.dma_semaphore, #tpu.memory_space<semaphore_mem>>) src(%dma_wait3A_282 : memref<80x128xf32, #tpu.memory_space<hbm>>) dst(%arg10 : memref<80x128xf32, #tpu.memory_space<vmem>>)
        %dma_wait3A_283 = arith.constant 1 : i32
        %dma_wait3A_284 = arith.constant 0 : i32
        %dma_wait3A_285 = arith.constant 0 : i32
        %dma_wait3A_286 = arith.constant 0 : i32
        %dma_wait3A_287 = tpu.memref_slice %arg3[%dma_wait3A_283, %dma_wait3A_284, %dma_wait3A_285, %dma_wait3A_286] : memref<2x32x125x80xi32, #tpu.memory_space<hbm>> -> memref<1x1x1x80xi32, #tpu.memory_space<hbm>>
        %dma_wait3A_288 = tpu.memref_squeeze %dma_wait3A_287 : memref<1x1x1x80xi32, #tpu.memory_space<hbm>> -> memref<80xi32, #tpu.memory_space<hbm>>
        %dma_wait3A_289 = arith.constant 0 : i32
        %dma_wait3A_290 = tpu.memref_slice %arg3[%dma_wait3A_283, %dma_wait3A_284, %dma_wait3A_285, %dma_wait3A_289] : memref<2x32x125x80xi32, #tpu.memory_space<hbm>> -> memref<1x1x1x80xi32, #tpu.memory_space<hbm>>
        %dma_wait3A_291 = tpu.memref_squeeze %dma_wait3A_290 : memref<1x1x1x80xi32, #tpu.memory_space<hbm>> -> memref<80xi32, #tpu.memory_space<hbm>>
        tpu.wait_dma2 semaphore(%arg45 : memref<!tpu.dma_semaphore, #tpu.memory_space<semaphore_mem>>) src(%dma_wait3A_291 : memref<80xi32, #tpu.memory_space<hbm>>) dst(%arg22 : memref<80xi32, #tpu.memory_space<vmem>>)
        "tpu.region"() ({
          %run_scoped3A = tpu.sem_alloc : memref<!tpu.dma_semaphore, #tpu.memory_space<semaphore_mem>>
          %dma_start3A_305 = arith.constant 0 : i32
          %dma_start3A_306 = arith.constant 0 : i32
          %dma_start3A_307 = tpu.memref_slice %arg29[%dma_start3A_305, %dma_start3A_306] : memref<10000x128xf32, #tpu.memory_space<vmem_shared>> -> memref<10000x128xf32, #tpu.memory_space<vmem_shared>>
          tpu.enqueue_indirect_dma source(%arg10 : memref<80x128xf32, #tpu.memory_space<vmem>>) target(%dma_start3A_307 : memref<10000x128xf32, #tpu.memory_space<vmem_shared>>) offsets(%arg22 : memref<80xi32, #tpu.memory_space<vmem>>) semaphore(%run_scoped3A : memref<!tpu.dma_semaphore, #tpu.memory_space<semaphore_mem>>) {add = true}
          %dma_wait3A_308 = arith.constant 0 : i32
          %dma_wait3A_309 = arith.constant 0 : i32
          %dma_wait3A_310 = tpu.memref_slice %arg29[%dma_wait3A_308, %dma_wait3A_309] : memref<10000x128xf32, #tpu.memory_space<vmem_shared>> -> memref<10000x128xf32, #tpu.memory_space<vmem_shared>>
          tpu.wait_indirect_dma semaphore(%run_scoped3A : memref<!tpu.dma_semaphore, #tpu.memory_space<semaphore_mem>>) src(%arg10 : memref<80x128xf32, #tpu.memory_space<vmem>>) dst(%dma_wait3A_310 : memref<10000x128xf32, #tpu.memory_space<vmem_shared>>)
          tpu.yield
        }) : () -> ()
        "tpu.region"() ({
          %run_scoped3A = tpu.sem_alloc : memref<!tpu.dma_semaphore, #tpu.memory_space<semaphore_mem>>
          %dma_start3A_305 = arith.constant 0 : i32
          %dma_start3A_306 = tpu.memref_slice %arg30[%dma_start3A_305] : memref<10000xf32, #tpu.memory_space<vmem_shared>> -> memref<10000xf32, #tpu.memory_space<vmem_shared>>
          tpu.enqueue_indirect_dma source(%arg28 : memref<80xf32, #tpu.memory_space<vmem>>) target(%dma_start3A_306 : memref<10000xf32, #tpu.memory_space<vmem_shared>>) offsets(%arg22 : memref<80xi32, #tpu.memory_space<vmem>>) semaphore(%run_scoped3A : memref<!tpu.dma_semaphore, #tpu.memory_space<semaphore_mem>>) {add = true}
          %dma_wait3A_307 = arith.constant 0 : i32
          %dma_wait3A_308 = tpu.memref_slice %arg30[%dma_wait3A_307] : memref<10000xf32, #tpu.memory_space<vmem_shared>> -> memref<10000xf32, #tpu.memory_space<vmem_shared>>
          tpu.wait_indirect_dma semaphore(%run_scoped3A : memref<!tpu.dma_semaphore, #tpu.memory_space<semaphore_mem>>) src(%arg28 : memref<80xf32, #tpu.memory_space<vmem>>) dst(%dma_wait3A_308 : memref<10000xf32, #tpu.memory_space<vmem_shared>>)
          tpu.yield
        }) : () -> ()
        %add3A_292 = arith.constant 4 : i32
        %add3A_293 = arith.addi %add3A_235, %add3A_292 : i32
        %lt3A = arith.constant 125 : i32
        %lt3A_294 = arith.cmpi slt, %add3A_293, %lt3A : i32
        %convert_element_type3A_295 = arith.extui %lt3A_294 : i1 to i32
        %cond3A_296 = arith.constant 0 : i32
        %cond3A_297 = arith.cmpi ne, %convert_element_type3A_295, %cond3A_296 : i32
        scf.if %cond3A_297 {
          %add3A_305 = arith.constant 4 : i32
          %add3A_306 = arith.addi %add3A_235, %add3A_305 : i32
          %dma_wait3A_307 = arith.constant 0 : i32
          %dma_wait3A_308 = arith.constant 0 : i32
          %dma_wait3A_309 = arith.constant 0 : i32
          %dma_wait3A_310 = arith.constant 0 : i32
          %dma_wait3A_311 = tpu.memref_slice %arg3[%dma_wait3A_307, %dma_wait3A_308, %dma_wait3A_309, %dma_wait3A_310] : memref<2x32x125x80xi32, #tpu.memory_space<hbm>> -> memref<1x1x1x80xi32, #tpu.memory_space<hbm>>
          %dma_wait3A_312 = tpu.memref_squeeze %dma_wait3A_311 : memref<1x1x1x80xi32, #tpu.memory_space<hbm>> -> memref<80xi32, #tpu.memory_space<hbm>>
          %dma_wait3A_313 = arith.constant 0 : i32
          %dma_wait3A_314 = tpu.memref_slice %arg3[%dma_wait3A_307, %dma_wait3A_308, %dma_wait3A_309, %dma_wait3A_313] : memref<2x32x125x80xi32, #tpu.memory_space<hbm>> -> memref<1x1x1x80xi32, #tpu.memory_space<hbm>>
          %dma_wait3A_315 = tpu.memref_squeeze %dma_wait3A_314 : memref<1x1x1x80xi32, #tpu.memory_space<hbm>> -> memref<80xi32, #tpu.memory_space<hbm>>
          tpu.wait_dma2 semaphore(%arg41 : memref<!tpu.dma_semaphore, #tpu.memory_space<semaphore_mem>>) src(%dma_wait3A_315 : memref<80xi32, #tpu.memory_space<hbm>>) dst(%arg18 : memref<80xi32, #tpu.memory_space<vmem>>)
          %dma_start3A_316 = arith.constant 0 : i32
          %dma_start3A_317 = arith.constant 0 : i32
          %dma_start3A_318 = tpu.memref_slice %arg2[%dma_start3A_316, %dma_start3A_317] : memref<10000x128xf32, #tpu.memory_space<hbm>> -> memref<10000x128xf32, #tpu.memory_space<hbm>>
          tpu.enqueue_indirect_dma source(%dma_start3A_318 : memref<10000x128xf32, #tpu.memory_space<hbm>>) target(%arg10 : memref<80x128xf32, #tpu.memory_space<vmem>>) offsets(%arg18 : memref<80xi32, #tpu.memory_space<vmem>>) semaphore(%arg33 : memref<!tpu.dma_semaphore, #tpu.memory_space<semaphore_mem>>)
        } else {
        }
        %add3A_298 = arith.constant 8 : i32
        %add3A_299 = arith.addi %add3A_235, %add3A_298 : i32
        %lt3A_300 = arith.constant 125 : i32
        %lt3A_301 = arith.cmpi slt, %add3A_299, %lt3A_300 : i32
        %convert_element_type3A_302 = arith.extui %lt3A_301 : i1 to i32
        %cond3A_303 = arith.constant 0 : i32
        %cond3A_304 = arith.cmpi ne, %convert_element_type3A_302, %cond3A_303 : i32
        scf.if %cond3A_304 {
          %add3A_305 = arith.constant 8 : i32
          %add3A_306 = arith.addi %add3A_235, %add3A_305 : i32
          %dma_start3A_307 = arith.constant 0 : i32
          %dma_start3A_308 = arith.constant 0 : i32
          %dma_start3A_309 = tpu.memref_slice %arg3[%dma_start3A_307, %add3A, %add3A_306, %dma_start3A_308] : memref<2x32x125x80xi32, #tpu.memory_space<hbm>> -> memref<1x1x1x80xi32, #tpu.memory_space<hbm>>
          %dma_start3A_310 = tpu.memref_squeeze %dma_start3A_309 : memref<1x1x1x80xi32, #tpu.memory_space<hbm>> -> memref<80xi32, #tpu.memory_space<hbm>>
          %dma_start3A_311 = arith.constant 0 : i32
          %dma_start3A_312 = tpu.memref_slice %arg3[%dma_start3A_307, %add3A, %add3A_306, %dma_start3A_311] : memref<2x32x125x80xi32, #tpu.memory_space<hbm>> -> memref<1x1x1x80xi32, #tpu.memory_space<hbm>>
          %dma_start3A_313 = tpu.memref_squeeze %dma_start3A_312 : memref<1x1x1x80xi32, #tpu.memory_space<hbm>> -> memref<80xi32, #tpu.memory_space<hbm>>
          tpu.enqueue_dma source(%dma_start3A_313 : memref<80xi32, #tpu.memory_space<hbm>>) target(%arg14 : memref<80xi32, #tpu.memory_space<vmem>>) target_semaphore(%arg37 : memref<!tpu.dma_semaphore, #tpu.memory_space<semaphore_mem>>)
          %dma_start3A_314 = arith.constant 1 : i32
          %dma_start3A_315 = arith.constant 0 : i32
          %dma_start3A_316 = tpu.memref_slice %arg3[%dma_start3A_314, %add3A, %add3A_306, %dma_start3A_315] : memref<2x32x125x80xi32, #tpu.memory_space<hbm>> -> memref<1x1x1x80xi32, #tpu.memory_space<hbm>>
          %dma_start3A_317 = tpu.memref_squeeze %dma_start3A_316 : memref<1x1x1x80xi32, #tpu.memory_space<hbm>> -> memref<80xi32, #tpu.memory_space<hbm>>
          %dma_start3A_318 = arith.constant 0 : i32
          %dma_start3A_319 = tpu.memref_slice %arg3[%dma_start3A_314, %add3A, %add3A_306, %dma_start3A_318] : memref<2x32x125x80xi32, #tpu.memory_space<hbm>> -> memref<1x1x1x80xi32, #tpu.memory_space<hbm>>
          %dma_start3A_320 = tpu.memref_squeeze %dma_start3A_319 : memref<1x1x1x80xi32, #tpu.memory_space<hbm>> -> memref<80xi32, #tpu.memory_space<hbm>>
          tpu.enqueue_dma source(%dma_start3A_320 : memref<80xi32, #tpu.memory_space<hbm>>) target(%arg22 : memref<80xi32, #tpu.memory_space<vmem>>) target_semaphore(%arg45 : memref<!tpu.dma_semaphore, #tpu.memory_space<semaphore_mem>>)
        } else {
        }
      } else {
      }
      %eq3A_252 = arith.constant 3 : i32
      %eq3A_253 = arith.cmpi eq, %rem3A_236, %eq3A_252 : i32
      %convert_element_type3A_254 = arith.extui %eq3A_253 : i1 to i32
      %cond3A_255 = arith.constant 0 : i32
      %cond3A_256 = arith.cmpi ne, %convert_element_type3A_254, %cond3A_255 : i32
      scf.if %cond3A_256 {
        %dma_wait3A_277 = arith.constant 0 : i32
        %dma_wait3A_278 = arith.constant 0 : i32
        %dma_wait3A_279 = tpu.memref_slice %arg2[%dma_wait3A_277, %dma_wait3A_278] : memref<10000x128xf32, #tpu.memory_space<hbm>> -> memref<80x128xf32, #tpu.memory_space<hbm>>
        %dma_wait3A_280 = arith.constant 0 : i32
        %dma_wait3A_281 = arith.constant 0 : i32
        %dma_wait3A_282 = tpu.memref_slice %arg2[%dma_wait3A_280, %dma_wait3A_281] : memref<10000x128xf32, #tpu.memory_space<hbm>> -> memref<80x128xf32, #tpu.memory_space<hbm>>
        tpu.wait_dma2 semaphore(%arg34 : memref<!tpu.dma_semaphore, #tpu.memory_space<semaphore_mem>>) src(%dma_wait3A_282 : memref<80x128xf32, #tpu.memory_space<hbm>>) dst(%arg11 : memref<80x128xf32, #tpu.memory_space<vmem>>)
        %dma_wait3A_283 = arith.constant 1 : i32
        %dma_wait3A_284 = arith.constant 0 : i32
        %dma_wait3A_285 = arith.constant 0 : i32
        %dma_wait3A_286 = arith.constant 0 : i32
        %dma_wait3A_287 = tpu.memref_slice %arg3[%dma_wait3A_283, %dma_wait3A_284, %dma_wait3A_285, %dma_wait3A_286] : memref<2x32x125x80xi32, #tpu.memory_space<hbm>> -> memref<1x1x1x80xi32, #tpu.memory_space<hbm>>
        %dma_wait3A_288 = tpu.memref_squeeze %dma_wait3A_287 : memref<1x1x1x80xi32, #tpu.memory_space<hbm>> -> memref<80xi32, #tpu.memory_space<hbm>>
        %dma_wait3A_289 = arith.constant 0 : i32
        %dma_wait3A_290 = tpu.memref_slice %arg3[%dma_wait3A_283, %dma_wait3A_284, %dma_wait3A_285, %dma_wait3A_289] : memref<2x32x125x80xi32, #tpu.memory_space<hbm>> -> memref<1x1x1x80xi32, #tpu.memory_space<hbm>>
        %dma_wait3A_291 = tpu.memref_squeeze %dma_wait3A_290 : memref<1x1x1x80xi32, #tpu.memory_space<hbm>> -> memref<80xi32, #tpu.memory_space<hbm>>
        tpu.wait_dma2 semaphore(%arg46 : memref<!tpu.dma_semaphore, #tpu.memory_space<semaphore_mem>>) src(%dma_wait3A_291 : memref<80xi32, #tpu.memory_space<hbm>>) dst(%arg23 : memref<80xi32, #tpu.memory_space<vmem>>)
        "tpu.region"() ({
          %run_scoped3A = tpu.sem_alloc : memref<!tpu.dma_semaphore, #tpu.memory_space<semaphore_mem>>
          %dma_start3A_305 = arith.constant 0 : i32
          %dma_start3A_306 = arith.constant 0 : i32
          %dma_start3A_307 = tpu.memref_slice %arg29[%dma_start3A_305, %dma_start3A_306] : memref<10000x128xf32, #tpu.memory_space<vmem_shared>> -> memref<10000x128xf32, #tpu.memory_space<vmem_shared>>
          tpu.enqueue_indirect_dma source(%arg11 : memref<80x128xf32, #tpu.memory_space<vmem>>) target(%dma_start3A_307 : memref<10000x128xf32, #tpu.memory_space<vmem_shared>>) offsets(%arg23 : memref<80xi32, #tpu.memory_space<vmem>>) semaphore(%run_scoped3A : memref<!tpu.dma_semaphore, #tpu.memory_space<semaphore_mem>>) {add = true}
          %dma_wait3A_308 = arith.constant 0 : i32
          %dma_wait3A_309 = arith.constant 0 : i32
          %dma_wait3A_310 = tpu.memref_slice %arg29[%dma_wait3A_308, %dma_wait3A_309] : memref<10000x128xf32, #tpu.memory_space<vmem_shared>> -> memref<10000x128xf32, #tpu.memory_space<vmem_shared>>
          tpu.wait_indirect_dma semaphore(%run_scoped3A : memref<!tpu.dma_semaphore, #tpu.memory_space<semaphore_mem>>) src(%arg11 : memref<80x128xf32, #tpu.memory_space<vmem>>) dst(%dma_wait3A_310 : memref<10000x128xf32, #tpu.memory_space<vmem_shared>>)
          tpu.yield
        }) : () -> ()
        "tpu.region"() ({
          %run_scoped3A = tpu.sem_alloc : memref<!tpu.dma_semaphore, #tpu.memory_space<semaphore_mem>>
          %dma_start3A_305 = arith.constant 0 : i32
          %dma_start3A_306 = tpu.memref_slice %arg30[%dma_start3A_305] : memref<10000xf32, #tpu.memory_space<vmem_shared>> -> memref<10000xf32, #tpu.memory_space<vmem_shared>>
          tpu.enqueue_indirect_dma source(%arg28 : memref<80xf32, #tpu.memory_space<vmem>>) target(%dma_start3A_306 : memref<10000xf32, #tpu.memory_space<vmem_shared>>) offsets(%arg23 : memref<80xi32, #tpu.memory_space<vmem>>) semaphore(%run_scoped3A : memref<!tpu.dma_semaphore, #tpu.memory_space<semaphore_mem>>) {add = true}
          %dma_wait3A_307 = arith.constant 0 : i32
          %dma_wait3A_308 = tpu.memref_slice %arg30[%dma_wait3A_307] : memref<10000xf32, #tpu.memory_space<vmem_shared>> -> memref<10000xf32, #tpu.memory_space<vmem_shared>>
          tpu.wait_indirect_dma semaphore(%run_scoped3A : memref<!tpu.dma_semaphore, #tpu.memory_space<semaphore_mem>>) src(%arg28 : memref<80xf32, #tpu.memory_space<vmem>>) dst(%dma_wait3A_308 : memref<10000xf32, #tpu.memory_space<vmem_shared>>)
          tpu.yield
        }) : () -> ()
        %add3A_292 = arith.constant 4 : i32
        %add3A_293 = arith.addi %add3A_235, %add3A_292 : i32
        %lt3A = arith.constant 125 : i32
        %lt3A_294 = arith.cmpi slt, %add3A_293, %lt3A : i32
        %convert_element_type3A_295 = arith.extui %lt3A_294 : i1 to i32
        %cond3A_296 = arith.constant 0 : i32
        %cond3A_297 = arith.cmpi ne, %convert_element_type3A_295, %cond3A_296 : i32
        scf.if %cond3A_297 {
          %add3A_305 = arith.constant 4 : i32
          %add3A_306 = arith.addi %add3A_235, %add3A_305 : i32
          %dma_wait3A_307 = arith.constant 0 : i32
          %dma_wait3A_308 = arith.constant 0 : i32
          %dma_wait3A_309 = arith.constant 0 : i32
          %dma_wait3A_310 = arith.constant 0 : i32
          %dma_wait3A_311 = tpu.memref_slice %arg3[%dma_wait3A_307, %dma_wait3A_308, %dma_wait3A_309, %dma_wait3A_310] : memref<2x32x125x80xi32, #tpu.memory_space<hbm>> -> memref<1x1x1x80xi32, #tpu.memory_space<hbm>>
          %dma_wait3A_312 = tpu.memref_squeeze %dma_wait3A_311 : memref<1x1x1x80xi32, #tpu.memory_space<hbm>> -> memref<80xi32, #tpu.memory_space<hbm>>
          %dma_wait3A_313 = arith.constant 0 : i32
          %dma_wait3A_314 = tpu.memref_slice %arg3[%dma_wait3A_307, %dma_wait3A_308, %dma_wait3A_309, %dma_wait3A_313] : memref<2x32x125x80xi32, #tpu.memory_space<hbm>> -> memref<1x1x1x80xi32, #tpu.memory_space<hbm>>
          %dma_wait3A_315 = tpu.memref_squeeze %dma_wait3A_314 : memref<1x1x1x80xi32, #tpu.memory_space<hbm>> -> memref<80xi32, #tpu.memory_space<hbm>>
          tpu.wait_dma2 semaphore(%arg42 : memref<!tpu.dma_semaphore, #tpu.memory_space<semaphore_mem>>) src(%dma_wait3A_315 : memref<80xi32, #tpu.memory_space<hbm>>) dst(%arg19 : memref<80xi32, #tpu.memory_space<vmem>>)
          %dma_start3A_316 = arith.constant 0 : i32
          %dma_start3A_317 = arith.constant 0 : i32
          %dma_start3A_318 = tpu.memref_slice %arg2[%dma_start3A_316, %dma_start3A_317] : memref<10000x128xf32, #tpu.memory_space<hbm>> -> memref<10000x128xf32, #tpu.memory_space<hbm>>
          tpu.enqueue_indirect_dma source(%dma_start3A_318 : memref<10000x128xf32, #tpu.memory_space<hbm>>) target(%arg11 : memref<80x128xf32, #tpu.memory_space<vmem>>) offsets(%arg19 : memref<80xi32, #tpu.memory_space<vmem>>) semaphore(%arg34 : memref<!tpu.dma_semaphore, #tpu.memory_space<semaphore_mem>>)
        } else {
        }
        %add3A_298 = arith.constant 8 : i32
        %add3A_299 = arith.addi %add3A_235, %add3A_298 : i32
        %lt3A_300 = arith.constant 125 : i32
        %lt3A_301 = arith.cmpi slt, %add3A_299, %lt3A_300 : i32
        %convert_element_type3A_302 = arith.extui %lt3A_301 : i1 to i32
        %cond3A_303 = arith.constant 0 : i32
        %cond3A_304 = arith.cmpi ne, %convert_element_type3A_302, %cond3A_303 : i32
        scf.if %cond3A_304 {
          %add3A_305 = arith.constant 8 : i32
          %add3A_306 = arith.addi %add3A_235, %add3A_305 : i32
          %dma_start3A_307 = arith.constant 0 : i32
          %dma_start3A_308 = arith.constant 0 : i32
          %dma_start3A_309 = tpu.memref_slice %arg3[%dma_start3A_307, %add3A, %add3A_306, %dma_start3A_308] : memref<2x32x125x80xi32, #tpu.memory_space<hbm>> -> memref<1x1x1x80xi32, #tpu.memory_space<hbm>>
          %dma_start3A_310 = tpu.memref_squeeze %dma_start3A_309 : memref<1x1x1x80xi32, #tpu.memory_space<hbm>> -> memref<80xi32, #tpu.memory_space<hbm>>
          %dma_start3A_311 = arith.constant 0 : i32
          %dma_start3A_312 = tpu.memref_slice %arg3[%dma_start3A_307, %add3A, %add3A_306, %dma_start3A_311] : memref<2x32x125x80xi32, #tpu.memory_space<hbm>> -> memref<1x1x1x80xi32, #tpu.memory_space<hbm>>
          %dma_start3A_313 = tpu.memref_squeeze %dma_start3A_312 : memref<1x1x1x80xi32, #tpu.memory_space<hbm>> -> memref<80xi32, #tpu.memory_space<hbm>>
          tpu.enqueue_dma source(%dma_start3A_313 : memref<80xi32, #tpu.memory_space<hbm>>) target(%arg15 : memref<80xi32, #tpu.memory_space<vmem>>) target_semaphore(%arg38 : memref<!tpu.dma_semaphore, #tpu.memory_space<semaphore_mem>>)
          %dma_start3A_314 = arith.constant 1 : i32
          %dma_start3A_315 = arith.constant 0 : i32
          %dma_start3A_316 = tpu.memref_slice %arg3[%dma_start3A_314, %add3A, %add3A_306, %dma_start3A_315] : memref<2x32x125x80xi32, #tpu.memory_space<hbm>> -> memref<1x1x1x80xi32, #tpu.memory_space<hbm>>
          %dma_start3A_317 = tpu.memref_squeeze %dma_start3A_316 : memref<1x1x1x80xi32, #tpu.memory_space<hbm>> -> memref<80xi32, #tpu.memory_space<hbm>>
          %dma_start3A_318 = arith.constant 0 : i32
          %dma_start3A_319 = tpu.memref_slice %arg3[%dma_start3A_314, %add3A, %add3A_306, %dma_start3A_318] : memref<2x32x125x80xi32, #tpu.memory_space<hbm>> -> memref<1x1x1x80xi32, #tpu.memory_space<hbm>>
          %dma_start3A_320 = tpu.memref_squeeze %dma_start3A_319 : memref<1x1x1x80xi32, #tpu.memory_space<hbm>> -> memref<80xi32, #tpu.memory_space<hbm>>
          tpu.enqueue_dma source(%dma_start3A_320 : memref<80xi32, #tpu.memory_space<hbm>>) target(%arg23 : memref<80xi32, #tpu.memory_space<vmem>>) target_semaphore(%arg46 : memref<!tpu.dma_semaphore, #tpu.memory_space<semaphore_mem>>)
        } else {
        }
      } else {
      }
      %eq3A_257 = arith.constant 4 : i32
      %eq3A_258 = arith.cmpi eq, %rem3A_236, %eq3A_257 : i32
      %convert_element_type3A_259 = arith.extui %eq3A_258 : i1 to i32
      %cond3A_260 = arith.constant 0 : i32
      %cond3A_261 = arith.cmpi ne, %convert_element_type3A_259, %cond3A_260 : i32
      scf.if %cond3A_261 {
        %dma_wait3A_277 = arith.constant 0 : i32
        %dma_wait3A_278 = arith.constant 0 : i32
        %dma_wait3A_279 = tpu.memref_slice %arg2[%dma_wait3A_277, %dma_wait3A_278] : memref<10000x128xf32, #tpu.memory_space<hbm>> -> memref<80x128xf32, #tpu.memory_space<hbm>>
        %dma_wait3A_280 = arith.constant 0 : i32
        %dma_wait3A_281 = arith.constant 0 : i32
        %dma_wait3A_282 = tpu.memref_slice %arg2[%dma_wait3A_280, %dma_wait3A_281] : memref<10000x128xf32, #tpu.memory_space<hbm>> -> memref<80x128xf32, #tpu.memory_space<hbm>>
        tpu.wait_dma2 semaphore(%arg31 : memref<!tpu.dma_semaphore, #tpu.memory_space<semaphore_mem>>) src(%dma_wait3A_282 : memref<80x128xf32, #tpu.memory_space<hbm>>) dst(%arg8 : memref<80x128xf32, #tpu.memory_space<vmem>>)
        %dma_wait3A_283 = arith.constant 1 : i32
        %dma_wait3A_284 = arith.constant 0 : i32
        %dma_wait3A_285 = arith.constant 0 : i32
        %dma_wait3A_286 = arith.constant 0 : i32
        %dma_wait3A_287 = tpu.memref_slice %arg3[%dma_wait3A_283, %dma_wait3A_284, %dma_wait3A_285, %dma_wait3A_286] : memref<2x32x125x80xi32, #tpu.memory_space<hbm>> -> memref<1x1x1x80xi32, #tpu.memory_space<hbm>>
        %dma_wait3A_288 = tpu.memref_squeeze %dma_wait3A_287 : memref<1x1x1x80xi32, #tpu.memory_space<hbm>> -> memref<80xi32, #tpu.memory_space<hbm>>
        %dma_wait3A_289 = arith.constant 0 : i32
        %dma_wait3A_290 = tpu.memref_slice %arg3[%dma_wait3A_283, %dma_wait3A_284, %dma_wait3A_285, %dma_wait3A_289] : memref<2x32x125x80xi32, #tpu.memory_space<hbm>> -> memref<1x1x1x80xi32, #tpu.memory_space<hbm>>
        %dma_wait3A_291 = tpu.memref_squeeze %dma_wait3A_290 : memref<1x1x1x80xi32, #tpu.memory_space<hbm>> -> memref<80xi32, #tpu.memory_space<hbm>>
        tpu.wait_dma2 semaphore(%arg47 : memref<!tpu.dma_semaphore, #tpu.memory_space<semaphore_mem>>) src(%dma_wait3A_291 : memref<80xi32, #tpu.memory_space<hbm>>) dst(%arg24 : memref<80xi32, #tpu.memory_space<vmem>>)
        "tpu.region"() ({
          %run_scoped3A = tpu.sem_alloc : memref<!tpu.dma_semaphore, #tpu.memory_space<semaphore_mem>>
          %dma_start3A_305 = arith.constant 0 : i32
          %dma_start3A_306 = arith.constant 0 : i32
          %dma_start3A_307 = tpu.memref_slice %arg29[%dma_start3A_305, %dma_start3A_306] : memref<10000x128xf32, #tpu.memory_space<vmem_shared>> -> memref<10000x128xf32, #tpu.memory_space<vmem_shared>>
          tpu.enqueue_indirect_dma source(%arg8 : memref<80x128xf32, #tpu.memory_space<vmem>>) target(%dma_start3A_307 : memref<10000x128xf32, #tpu.memory_space<vmem_shared>>) offsets(%arg24 : memref<80xi32, #tpu.memory_space<vmem>>) semaphore(%run_scoped3A : memref<!tpu.dma_semaphore, #tpu.memory_space<semaphore_mem>>) {add = true}
          %dma_wait3A_308 = arith.constant 0 : i32
          %dma_wait3A_309 = arith.constant 0 : i32
          %dma_wait3A_310 = tpu.memref_slice %arg29[%dma_wait3A_308, %dma_wait3A_309] : memref<10000x128xf32, #tpu.memory_space<vmem_shared>> -> memref<10000x128xf32, #tpu.memory_space<vmem_shared>>
          tpu.wait_indirect_dma semaphore(%run_scoped3A : memref<!tpu.dma_semaphore, #tpu.memory_space<semaphore_mem>>) src(%arg8 : memref<80x128xf32, #tpu.memory_space<vmem>>) dst(%dma_wait3A_310 : memref<10000x128xf32, #tpu.memory_space<vmem_shared>>)
          tpu.yield
        }) : () -> ()
        "tpu.region"() ({
          %run_scoped3A = tpu.sem_alloc : memref<!tpu.dma_semaphore, #tpu.memory_space<semaphore_mem>>
          %dma_start3A_305 = arith.constant 0 : i32
          %dma_start3A_306 = tpu.memref_slice %arg30[%dma_start3A_305] : memref<10000xf32, #tpu.memory_space<vmem_shared>> -> memref<10000xf32, #tpu.memory_space<vmem_shared>>
          tpu.enqueue_indirect_dma source(%arg28 : memref<80xf32, #tpu.memory_space<vmem>>) target(%dma_start3A_306 : memref<10000xf32, #tpu.memory_space<vmem_shared>>) offsets(%arg24 : memref<80xi32, #tpu.memory_space<vmem>>) semaphore(%run_scoped3A : memref<!tpu.dma_semaphore, #tpu.memory_space<semaphore_mem>>) {add = true}
          %dma_wait3A_307 = arith.constant 0 : i32
          %dma_wait3A_308 = tpu.memref_slice %arg30[%dma_wait3A_307] : memref<10000xf32, #tpu.memory_space<vmem_shared>> -> memref<10000xf32, #tpu.memory_space<vmem_shared>>
          tpu.wait_indirect_dma semaphore(%run_scoped3A : memref<!tpu.dma_semaphore, #tpu.memory_space<semaphore_mem>>) src(%arg28 : memref<80xf32, #tpu.memory_space<vmem>>) dst(%dma_wait3A_308 : memref<10000xf32, #tpu.memory_space<vmem_shared>>)
          tpu.yield
        }) : () -> ()
        %add3A_292 = arith.constant 4 : i32
        %add3A_293 = arith.addi %add3A_235, %add3A_292 : i32
        %lt3A = arith.constant 125 : i32
        %lt3A_294 = arith.cmpi slt, %add3A_293, %lt3A : i32
        %convert_element_type3A_295 = arith.extui %lt3A_294 : i1 to i32
        %cond3A_296 = arith.constant 0 : i32
        %cond3A_297 = arith.cmpi ne, %convert_element_type3A_295, %cond3A_296 : i32
        scf.if %cond3A_297 {
          %add3A_305 = arith.constant 4 : i32
          %add3A_306 = arith.addi %add3A_235, %add3A_305 : i32
          %dma_wait3A_307 = arith.constant 0 : i32
          %dma_wait3A_308 = arith.constant 0 : i32
          %dma_wait3A_309 = arith.constant 0 : i32
          %dma_wait3A_310 = arith.constant 0 : i32
          %dma_wait3A_311 = tpu.memref_slice %arg3[%dma_wait3A_307, %dma_wait3A_308, %dma_wait3A_309, %dma_wait3A_310] : memref<2x32x125x80xi32, #tpu.memory_space<hbm>> -> memref<1x1x1x80xi32, #tpu.memory_space<hbm>>
          %dma_wait3A_312 = tpu.memref_squeeze %dma_wait3A_311 : memref<1x1x1x80xi32, #tpu.memory_space<hbm>> -> memref<80xi32, #tpu.memory_space<hbm>>
          %dma_wait3A_313 = arith.constant 0 : i32
          %dma_wait3A_314 = tpu.memref_slice %arg3[%dma_wait3A_307, %dma_wait3A_308, %dma_wait3A_309, %dma_wait3A_313] : memref<2x32x125x80xi32, #tpu.memory_space<hbm>> -> memref<1x1x1x80xi32, #tpu.memory_space<hbm>>
          %dma_wait3A_315 = tpu.memref_squeeze %dma_wait3A_314 : memref<1x1x1x80xi32, #tpu.memory_space<hbm>> -> memref<80xi32, #tpu.memory_space<hbm>>
          tpu.wait_dma2 semaphore(%arg35 : memref<!tpu.dma_semaphore, #tpu.memory_space<semaphore_mem>>) src(%dma_wait3A_315 : memref<80xi32, #tpu.memory_space<hbm>>) dst(%arg12 : memref<80xi32, #tpu.memory_space<vmem>>)
          %dma_start3A_316 = arith.constant 0 : i32
          %dma_start3A_317 = arith.constant 0 : i32
          %dma_start3A_318 = tpu.memref_slice %arg2[%dma_start3A_316, %dma_start3A_317] : memref<10000x128xf32, #tpu.memory_space<hbm>> -> memref<10000x128xf32, #tpu.memory_space<hbm>>
          tpu.enqueue_indirect_dma source(%dma_start3A_318 : memref<10000x128xf32, #tpu.memory_space<hbm>>) target(%arg8 : memref<80x128xf32, #tpu.memory_space<vmem>>) offsets(%arg12 : memref<80xi32, #tpu.memory_space<vmem>>) semaphore(%arg31 : memref<!tpu.dma_semaphore, #tpu.memory_space<semaphore_mem>>)
        } else {
        }
        %add3A_298 = arith.constant 8 : i32
        %add3A_299 = arith.addi %add3A_235, %add3A_298 : i32
        %lt3A_300 = arith.constant 125 : i32
        %lt3A_301 = arith.cmpi slt, %add3A_299, %lt3A_300 : i32
        %convert_element_type3A_302 = arith.extui %lt3A_301 : i1 to i32
        %cond3A_303 = arith.constant 0 : i32
        %cond3A_304 = arith.cmpi ne, %convert_element_type3A_302, %cond3A_303 : i32
        scf.if %cond3A_304 {
          %add3A_305 = arith.constant 8 : i32
          %add3A_306 = arith.addi %add3A_235, %add3A_305 : i32
          %dma_start3A_307 = arith.constant 0 : i32
          %dma_start3A_308 = arith.constant 0 : i32
          %dma_start3A_309 = tpu.memref_slice %arg3[%dma_start3A_307, %add3A, %add3A_306, %dma_start3A_308] : memref<2x32x125x80xi32, #tpu.memory_space<hbm>> -> memref<1x1x1x80xi32, #tpu.memory_space<hbm>>
          %dma_start3A_310 = tpu.memref_squeeze %dma_start3A_309 : memref<1x1x1x80xi32, #tpu.memory_space<hbm>> -> memref<80xi32, #tpu.memory_space<hbm>>
          %dma_start3A_311 = arith.constant 0 : i32
          %dma_start3A_312 = tpu.memref_slice %arg3[%dma_start3A_307, %add3A, %add3A_306, %dma_start3A_311] : memref<2x32x125x80xi32, #tpu.memory_space<hbm>> -> memref<1x1x1x80xi32, #tpu.memory_space<hbm>>
          %dma_start3A_313 = tpu.memref_squeeze %dma_start3A_312 : memref<1x1x1x80xi32, #tpu.memory_space<hbm>> -> memref<80xi32, #tpu.memory_space<hbm>>
          tpu.enqueue_dma source(%dma_start3A_313 : memref<80xi32, #tpu.memory_space<hbm>>) target(%arg16 : memref<80xi32, #tpu.memory_space<vmem>>) target_semaphore(%arg39 : memref<!tpu.dma_semaphore, #tpu.memory_space<semaphore_mem>>)
          %dma_start3A_314 = arith.constant 1 : i32
          %dma_start3A_315 = arith.constant 0 : i32
          %dma_start3A_316 = tpu.memref_slice %arg3[%dma_start3A_314, %add3A, %add3A_306, %dma_start3A_315] : memref<2x32x125x80xi32, #tpu.memory_space<hbm>> -> memref<1x1x1x80xi32, #tpu.memory_space<hbm>>
          %dma_start3A_317 = tpu.memref_squeeze %dma_start3A_316 : memref<1x1x1x80xi32, #tpu.memory_space<hbm>> -> memref<80xi32, #tpu.memory_space<hbm>>
          %dma_start3A_318 = arith.constant 0 : i32
          %dma_start3A_319 = tpu.memref_slice %arg3[%dma_start3A_314, %add3A, %add3A_306, %dma_start3A_318] : memref<2x32x125x80xi32, #tpu.memory_space<hbm>> -> memref<1x1x1x80xi32, #tpu.memory_space<hbm>>
          %dma_start3A_320 = tpu.memref_squeeze %dma_start3A_319 : memref<1x1x1x80xi32, #tpu.memory_space<hbm>> -> memref<80xi32, #tpu.memory_space<hbm>>
          tpu.enqueue_dma source(%dma_start3A_320 : memref<80xi32, #tpu.memory_space<hbm>>) target(%arg24 : memref<80xi32, #tpu.memory_space<vmem>>) target_semaphore(%arg47 : memref<!tpu.dma_semaphore, #tpu.memory_space<semaphore_mem>>)
        } else {
        }
      } else {
      }
      %eq3A_262 = arith.constant 5 : i32
      %eq3A_263 = arith.cmpi eq, %rem3A_236, %eq3A_262 : i32
      %convert_element_type3A_264 = arith.extui %eq3A_263 : i1 to i32
      %cond3A_265 = arith.constant 0 : i32
      %cond3A_266 = arith.cmpi ne, %convert_element_type3A_264, %cond3A_265 : i32
      scf.if %cond3A_266 {
        %dma_wait3A_277 = arith.constant 0 : i32
        %dma_wait3A_278 = arith.constant 0 : i32
        %dma_wait3A_279 = tpu.memref_slice %arg2[%dma_wait3A_277, %dma_wait3A_278] : memref<10000x128xf32, #tpu.memory_space<hbm>> -> memref<80x128xf32, #tpu.memory_space<hbm>>
        %dma_wait3A_280 = arith.constant 0 : i32
        %dma_wait3A_281 = arith.constant 0 : i32
        %dma_wait3A_282 = tpu.memref_slice %arg2[%dma_wait3A_280, %dma_wait3A_281] : memref<10000x128xf32, #tpu.memory_space<hbm>> -> memref<80x128xf32, #tpu.memory_space<hbm>>
        tpu.wait_dma2 semaphore(%arg32 : memref<!tpu.dma_semaphore, #tpu.memory_space<semaphore_mem>>) src(%dma_wait3A_282 : memref<80x128xf32, #tpu.memory_space<hbm>>) dst(%arg9 : memref<80x128xf32, #tpu.memory_space<vmem>>)
        %dma_wait3A_283 = arith.constant 1 : i32
        %dma_wait3A_284 = arith.constant 0 : i32
        %dma_wait3A_285 = arith.constant 0 : i32
        %dma_wait3A_286 = arith.constant 0 : i32
        %dma_wait3A_287 = tpu.memref_slice %arg3[%dma_wait3A_283, %dma_wait3A_284, %dma_wait3A_285, %dma_wait3A_286] : memref<2x32x125x80xi32, #tpu.memory_space<hbm>> -> memref<1x1x1x80xi32, #tpu.memory_space<hbm>>
        %dma_wait3A_288 = tpu.memref_squeeze %dma_wait3A_287 : memref<1x1x1x80xi32, #tpu.memory_space<hbm>> -> memref<80xi32, #tpu.memory_space<hbm>>
        %dma_wait3A_289 = arith.constant 0 : i32
        %dma_wait3A_290 = tpu.memref_slice %arg3[%dma_wait3A_283, %dma_wait3A_284, %dma_wait3A_285, %dma_wait3A_289] : memref<2x32x125x80xi32, #tpu.memory_space<hbm>> -> memref<1x1x1x80xi32, #tpu.memory_space<hbm>>
        %dma_wait3A_291 = tpu.memref_squeeze %dma_wait3A_290 : memref<1x1x1x80xi32, #tpu.memory_space<hbm>> -> memref<80xi32, #tpu.memory_space<hbm>>
        tpu.wait_dma2 semaphore(%arg48 : memref<!tpu.dma_semaphore, #tpu.memory_space<semaphore_mem>>) src(%dma_wait3A_291 : memref<80xi32, #tpu.memory_space<hbm>>) dst(%arg25 : memref<80xi32, #tpu.memory_space<vmem>>)
        "tpu.region"() ({
          %run_scoped3A = tpu.sem_alloc : memref<!tpu.dma_semaphore, #tpu.memory_space<semaphore_mem>>
          %dma_start3A_305 = arith.constant 0 : i32
          %dma_start3A_306 = arith.constant 0 : i32
          %dma_start3A_307 = tpu.memref_slice %arg29[%dma_start3A_305, %dma_start3A_306] : memref<10000x128xf32, #tpu.memory_space<vmem_shared>> -> memref<10000x128xf32, #tpu.memory_space<vmem_shared>>
          tpu.enqueue_indirect_dma source(%arg9 : memref<80x128xf32, #tpu.memory_space<vmem>>) target(%dma_start3A_307 : memref<10000x128xf32, #tpu.memory_space<vmem_shared>>) offsets(%arg25 : memref<80xi32, #tpu.memory_space<vmem>>) semaphore(%run_scoped3A : memref<!tpu.dma_semaphore, #tpu.memory_space<semaphore_mem>>) {add = true}
          %dma_wait3A_308 = arith.constant 0 : i32
          %dma_wait3A_309 = arith.constant 0 : i32
          %dma_wait3A_310 = tpu.memref_slice %arg29[%dma_wait3A_308, %dma_wait3A_309] : memref<10000x128xf32, #tpu.memory_space<vmem_shared>> -> memref<10000x128xf32, #tpu.memory_space<vmem_shared>>
          tpu.wait_indirect_dma semaphore(%run_scoped3A : memref<!tpu.dma_semaphore, #tpu.memory_space<semaphore_mem>>) src(%arg9 : memref<80x128xf32, #tpu.memory_space<vmem>>) dst(%dma_wait3A_310 : memref<10000x128xf32, #tpu.memory_space<vmem_shared>>)
          tpu.yield
        }) : () -> ()
        "tpu.region"() ({
          %run_scoped3A = tpu.sem_alloc : memref<!tpu.dma_semaphore, #tpu.memory_space<semaphore_mem>>
          %dma_start3A_305 = arith.constant 0 : i32
          %dma_start3A_306 = tpu.memref_slice %arg30[%dma_start3A_305] : memref<10000xf32, #tpu.memory_space<vmem_shared>> -> memref<10000xf32, #tpu.memory_space<vmem_shared>>
          tpu.enqueue_indirect_dma source(%arg28 : memref<80xf32, #tpu.memory_space<vmem>>) target(%dma_start3A_306 : memref<10000xf32, #tpu.memory_space<vmem_shared>>) offsets(%arg25 : memref<80xi32, #tpu.memory_space<vmem>>) semaphore(%run_scoped3A : memref<!tpu.dma_semaphore, #tpu.memory_space<semaphore_mem>>) {add = true}
          %dma_wait3A_307 = arith.constant 0 : i32
          %dma_wait3A_308 = tpu.memref_slice %arg30[%dma_wait3A_307] : memref<10000xf32, #tpu.memory_space<vmem_shared>> -> memref<10000xf32, #tpu.memory_space<vmem_shared>>
          tpu.wait_indirect_dma semaphore(%run_scoped3A : memref<!tpu.dma_semaphore, #tpu.memory_space<semaphore_mem>>) src(%arg28 : memref<80xf32, #tpu.memory_space<vmem>>) dst(%dma_wait3A_308 : memref<10000xf32, #tpu.memory_space<vmem_shared>>)
          tpu.yield
        }) : () -> ()
        %add3A_292 = arith.constant 4 : i32
        %add3A_293 = arith.addi %add3A_235, %add3A_292 : i32
        %lt3A = arith.constant 125 : i32
        %lt3A_294 = arith.cmpi slt, %add3A_293, %lt3A : i32
        %convert_element_type3A_295 = arith.extui %lt3A_294 : i1 to i32
        %cond3A_296 = arith.constant 0 : i32
        %cond3A_297 = arith.cmpi ne, %convert_element_type3A_295, %cond3A_296 : i32
        scf.if %cond3A_297 {
          %add3A_305 = arith.constant 4 : i32
          %add3A_306 = arith.addi %add3A_235, %add3A_305 : i32
          %dma_wait3A_307 = arith.constant 0 : i32
          %dma_wait3A_308 = arith.constant 0 : i32
          %dma_wait3A_309 = arith.constant 0 : i32
          %dma_wait3A_310 = arith.constant 0 : i32
          %dma_wait3A_311 = tpu.memref_slice %arg3[%dma_wait3A_307, %dma_wait3A_308, %dma_wait3A_309, %dma_wait3A_310] : memref<2x32x125x80xi32, #tpu.memory_space<hbm>> -> memref<1x1x1x80xi32, #tpu.memory_space<hbm>>
          %dma_wait3A_312 = tpu.memref_squeeze %dma_wait3A_311 : memref<1x1x1x80xi32, #tpu.memory_space<hbm>> -> memref<80xi32, #tpu.memory_space<hbm>>
          %dma_wait3A_313 = arith.constant 0 : i32
          %dma_wait3A_314 = tpu.memref_slice %arg3[%dma_wait3A_307, %dma_wait3A_308, %dma_wait3A_309, %dma_wait3A_313] : memref<2x32x125x80xi32, #tpu.memory_space<hbm>> -> memref<1x1x1x80xi32, #tpu.memory_space<hbm>>
          %dma_wait3A_315 = tpu.memref_squeeze %dma_wait3A_314 : memref<1x1x1x80xi32, #tpu.memory_space<hbm>> -> memref<80xi32, #tpu.memory_space<hbm>>
          tpu.wait_dma2 semaphore(%arg36 : memref<!tpu.dma_semaphore, #tpu.memory_space<semaphore_mem>>) src(%dma_wait3A_315 : memref<80xi32, #tpu.memory_space<hbm>>) dst(%arg13 : memref<80xi32, #tpu.memory_space<vmem>>)
          %dma_start3A_316 = arith.constant 0 : i32
          %dma_start3A_317 = arith.constant 0 : i32
          %dma_start3A_318 = tpu.memref_slice %arg2[%dma_start3A_316, %dma_start3A_317] : memref<10000x128xf32, #tpu.memory_space<hbm>> -> memref<10000x128xf32, #tpu.memory_space<hbm>>
          tpu.enqueue_indirect_dma source(%dma_start3A_318 : memref<10000x128xf32, #tpu.memory_space<hbm>>) target(%arg9 : memref<80x128xf32, #tpu.memory_space<vmem>>) offsets(%arg13 : memref<80xi32, #tpu.memory_space<vmem>>) semaphore(%arg32 : memref<!tpu.dma_semaphore, #tpu.memory_space<semaphore_mem>>)
        } else {
        }
        %add3A_298 = arith.constant 8 : i32
        %add3A_299 = arith.addi %add3A_235, %add3A_298 : i32
        %lt3A_300 = arith.constant 125 : i32
        %lt3A_301 = arith.cmpi slt, %add3A_299, %lt3A_300 : i32
        %convert_element_type3A_302 = arith.extui %lt3A_301 : i1 to i32
        %cond3A_303 = arith.constant 0 : i32
        %cond3A_304 = arith.cmpi ne, %convert_element_type3A_302, %cond3A_303 : i32
        scf.if %cond3A_304 {
          %add3A_305 = arith.constant 8 : i32
          %add3A_306 = arith.addi %add3A_235, %add3A_305 : i32
          %dma_start3A_307 = arith.constant 0 : i32
          %dma_start3A_308 = arith.constant 0 : i32
          %dma_start3A_309 = tpu.memref_slice %arg3[%dma_start3A_307, %add3A, %add3A_306, %dma_start3A_308] : memref<2x32x125x80xi32, #tpu.memory_space<hbm>> -> memref<1x1x1x80xi32, #tpu.memory_space<hbm>>
          %dma_start3A_310 = tpu.memref_squeeze %dma_start3A_309 : memref<1x1x1x80xi32, #tpu.memory_space<hbm>> -> memref<80xi32, #tpu.memory_space<hbm>>
          %dma_start3A_311 = arith.constant 0 : i32
          %dma_start3A_312 = tpu.memref_slice %arg3[%dma_start3A_307, %add3A, %add3A_306, %dma_start3A_311] : memref<2x32x125x80xi32, #tpu.memory_space<hbm>> -> memref<1x1x1x80xi32, #tpu.memory_space<hbm>>
          %dma_start3A_313 = tpu.memref_squeeze %dma_start3A_312 : memref<1x1x1x80xi32, #tpu.memory_space<hbm>> -> memref<80xi32, #tpu.memory_space<hbm>>
          tpu.enqueue_dma source(%dma_start3A_313 : memref<80xi32, #tpu.memory_space<hbm>>) target(%arg17 : memref<80xi32, #tpu.memory_space<vmem>>) target_semaphore(%arg40 : memref<!tpu.dma_semaphore, #tpu.memory_space<semaphore_mem>>)
          %dma_start3A_314 = arith.constant 1 : i32
          %dma_start3A_315 = arith.constant 0 : i32
          %dma_start3A_316 = tpu.memref_slice %arg3[%dma_start3A_314, %add3A, %add3A_306, %dma_start3A_315] : memref<2x32x125x80xi32, #tpu.memory_space<hbm>> -> memref<1x1x1x80xi32, #tpu.memory_space<hbm>>
          %dma_start3A_317 = tpu.memref_squeeze %dma_start3A_316 : memref<1x1x1x80xi32, #tpu.memory_space<hbm>> -> memref<80xi32, #tpu.memory_space<hbm>>
          %dma_start3A_318 = arith.constant 0 : i32
          %dma_start3A_319 = tpu.memref_slice %arg3[%dma_start3A_314, %add3A, %add3A_306, %dma_start3A_318] : memref<2x32x125x80xi32, #tpu.memory_space<hbm>> -> memref<1x1x1x80xi32, #tpu.memory_space<hbm>>
          %dma_start3A_320 = tpu.memref_squeeze %dma_start3A_319 : memref<1x1x1x80xi32, #tpu.memory_space<hbm>> -> memref<80xi32, #tpu.memory_space<hbm>>
          tpu.enqueue_dma source(%dma_start3A_320 : memref<80xi32, #tpu.memory_space<hbm>>) target(%arg25 : memref<80xi32, #tpu.memory_space<vmem>>) target_semaphore(%arg48 : memref<!tpu.dma_semaphore, #tpu.memory_space<semaphore_mem>>)
        } else {
        }
      } else {
      }
      %eq3A_267 = arith.constant 6 : i32
      %eq3A_268 = arith.cmpi eq, %rem3A_236, %eq3A_267 : i32
      %convert_element_type3A_269 = arith.extui %eq3A_268 : i1 to i32
      %cond3A_270 = arith.constant 0 : i32
      %cond3A_271 = arith.cmpi ne, %convert_element_type3A_269, %cond3A_270 : i32
      scf.if %cond3A_271 {
        %dma_wait3A_277 = arith.constant 0 : i32
        %dma_wait3A_278 = arith.constant 0 : i32
        %dma_wait3A_279 = tpu.memref_slice %arg2[%dma_wait3A_277, %dma_wait3A_278] : memref<10000x128xf32, #tpu.memory_space<hbm>> -> memref<80x128xf32, #tpu.memory_space<hbm>>
        %dma_wait3A_280 = arith.constant 0 : i32
        %dma_wait3A_281 = arith.constant 0 : i32
        %dma_wait3A_282 = tpu.memref_slice %arg2[%dma_wait3A_280, %dma_wait3A_281] : memref<10000x128xf32, #tpu.memory_space<hbm>> -> memref<80x128xf32, #tpu.memory_space<hbm>>
        tpu.wait_dma2 semaphore(%arg33 : memref<!tpu.dma_semaphore, #tpu.memory_space<semaphore_mem>>) src(%dma_wait3A_282 : memref<80x128xf32, #tpu.memory_space<hbm>>) dst(%arg10 : memref<80x128xf32, #tpu.memory_space<vmem>>)
        %dma_wait3A_283 = arith.constant 1 : i32
        %dma_wait3A_284 = arith.constant 0 : i32
        %dma_wait3A_285 = arith.constant 0 : i32
        %dma_wait3A_286 = arith.constant 0 : i32
        %dma_wait3A_287 = tpu.memref_slice %arg3[%dma_wait3A_283, %dma_wait3A_284, %dma_wait3A_285, %dma_wait3A_286] : memref<2x32x125x80xi32, #tpu.memory_space<hbm>> -> memref<1x1x1x80xi32, #tpu.memory_space<hbm>>
        %dma_wait3A_288 = tpu.memref_squeeze %dma_wait3A_287 : memref<1x1x1x80xi32, #tpu.memory_space<hbm>> -> memref<80xi32, #tpu.memory_space<hbm>>
        %dma_wait3A_289 = arith.constant 0 : i32
        %dma_wait3A_290 = tpu.memref_slice %arg3[%dma_wait3A_283, %dma_wait3A_284, %dma_wait3A_285, %dma_wait3A_289] : memref<2x32x125x80xi32, #tpu.memory_space<hbm>> -> memref<1x1x1x80xi32, #tpu.memory_space<hbm>>
        %dma_wait3A_291 = tpu.memref_squeeze %dma_wait3A_290 : memref<1x1x1x80xi32, #tpu.memory_space<hbm>> -> memref<80xi32, #tpu.memory_space<hbm>>
        tpu.wait_dma2 semaphore(%arg49 : memref<!tpu.dma_semaphore, #tpu.memory_space<semaphore_mem>>) src(%dma_wait3A_291 : memref<80xi32, #tpu.memory_space<hbm>>) dst(%arg26 : memref<80xi32, #tpu.memory_space<vmem>>)
        "tpu.region"() ({
          %run_scoped3A = tpu.sem_alloc : memref<!tpu.dma_semaphore, #tpu.memory_space<semaphore_mem>>
          %dma_start3A_305 = arith.constant 0 : i32
          %dma_start3A_306 = arith.constant 0 : i32
          %dma_start3A_307 = tpu.memref_slice %arg29[%dma_start3A_305, %dma_start3A_306] : memref<10000x128xf32, #tpu.memory_space<vmem_shared>> -> memref<10000x128xf32, #tpu.memory_space<vmem_shared>>
          tpu.enqueue_indirect_dma source(%arg10 : memref<80x128xf32, #tpu.memory_space<vmem>>) target(%dma_start3A_307 : memref<10000x128xf32, #tpu.memory_space<vmem_shared>>) offsets(%arg26 : memref<80xi32, #tpu.memory_space<vmem>>) semaphore(%run_scoped3A : memref<!tpu.dma_semaphore, #tpu.memory_space<semaphore_mem>>) {add = true}
          %dma_wait3A_308 = arith.constant 0 : i32
          %dma_wait3A_309 = arith.constant 0 : i32
          %dma_wait3A_310 = tpu.memref_slice %arg29[%dma_wait3A_308, %dma_wait3A_309] : memref<10000x128xf32, #tpu.memory_space<vmem_shared>> -> memref<10000x128xf32, #tpu.memory_space<vmem_shared>>
          tpu.wait_indirect_dma semaphore(%run_scoped3A : memref<!tpu.dma_semaphore, #tpu.memory_space<semaphore_mem>>) src(%arg10 : memref<80x128xf32, #tpu.memory_space<vmem>>) dst(%dma_wait3A_310 : memref<10000x128xf32, #tpu.memory_space<vmem_shared>>)
          tpu.yield
        }) : () -> ()
        "tpu.region"() ({
          %run_scoped3A = tpu.sem_alloc : memref<!tpu.dma_semaphore, #tpu.memory_space<semaphore_mem>>
          %dma_start3A_305 = arith.constant 0 : i32
          %dma_start3A_306 = tpu.memref_slice %arg30[%dma_start3A_305] : memref<10000xf32, #tpu.memory_space<vmem_shared>> -> memref<10000xf32, #tpu.memory_space<vmem_shared>>
          tpu.enqueue_indirect_dma source(%arg28 : memref<80xf32, #tpu.memory_space<vmem>>) target(%dma_start3A_306 : memref<10000xf32, #tpu.memory_space<vmem_shared>>) offsets(%arg26 : memref<80xi32, #tpu.memory_space<vmem>>) semaphore(%run_scoped3A : memref<!tpu.dma_semaphore, #tpu.memory_space<semaphore_mem>>) {add = true}
          %dma_wait3A_307 = arith.constant 0 : i32
          %dma_wait3A_308 = tpu.memref_slice %arg30[%dma_wait3A_307] : memref<10000xf32, #tpu.memory_space<vmem_shared>> -> memref<10000xf32, #tpu.memory_space<vmem_shared>>
          tpu.wait_indirect_dma semaphore(%run_scoped3A : memref<!tpu.dma_semaphore, #tpu.memory_space<semaphore_mem>>) src(%arg28 : memref<80xf32, #tpu.memory_space<vmem>>) dst(%dma_wait3A_308 : memref<10000xf32, #tpu.memory_space<vmem_shared>>)
          tpu.yield
        }) : () -> ()
        %add3A_292 = arith.constant 4 : i32
        %add3A_293 = arith.addi %add3A_235, %add3A_292 : i32
        %lt3A = arith.constant 125 : i32
        %lt3A_294 = arith.cmpi slt, %add3A_293, %lt3A : i32
        %convert_element_type3A_295 = arith.extui %lt3A_294 : i1 to i32
        %cond3A_296 = arith.constant 0 : i32
        %cond3A_297 = arith.cmpi ne, %convert_element_type3A_295, %cond3A_296 : i32
        scf.if %cond3A_297 {
          %add3A_305 = arith.constant 4 : i32
          %add3A_306 = arith.addi %add3A_235, %add3A_305 : i32
          %dma_wait3A_307 = arith.constant 0 : i32
          %dma_wait3A_308 = arith.constant 0 : i32
          %dma_wait3A_309 = arith.constant 0 : i32
          %dma_wait3A_310 = arith.constant 0 : i32
          %dma_wait3A_311 = tpu.memref_slice %arg3[%dma_wait3A_307, %dma_wait3A_308, %dma_wait3A_309, %dma_wait3A_310] : memref<2x32x125x80xi32, #tpu.memory_space<hbm>> -> memref<1x1x1x80xi32, #tpu.memory_space<hbm>>
          %dma_wait3A_312 = tpu.memref_squeeze %dma_wait3A_311 : memref<1x1x1x80xi32, #tpu.memory_space<hbm>> -> memref<80xi32, #tpu.memory_space<hbm>>
          %dma_wait3A_313 = arith.constant 0 : i32
          %dma_wait3A_314 = tpu.memref_slice %arg3[%dma_wait3A_307, %dma_wait3A_308, %dma_wait3A_309, %dma_wait3A_313] : memref<2x32x125x80xi32, #tpu.memory_space<hbm>> -> memref<1x1x1x80xi32, #tpu.memory_space<hbm>>
          %dma_wait3A_315 = tpu.memref_squeeze %dma_wait3A_314 : memref<1x1x1x80xi32, #tpu.memory_space<hbm>> -> memref<80xi32, #tpu.memory_space<hbm>>
          tpu.wait_dma2 semaphore(%arg37 : memref<!tpu.dma_semaphore, #tpu.memory_space<semaphore_mem>>) src(%dma_wait3A_315 : memref<80xi32, #tpu.memory_space<hbm>>) dst(%arg14 : memref<80xi32, #tpu.memory_space<vmem>>)
          %dma_start3A_316 = arith.constant 0 : i32
          %dma_start3A_317 = arith.constant 0 : i32
          %dma_start3A_318 = tpu.memref_slice %arg2[%dma_start3A_316, %dma_start3A_317] : memref<10000x128xf32, #tpu.memory_space<hbm>> -> memref<10000x128xf32, #tpu.memory_space<hbm>>
          tpu.enqueue_indirect_dma source(%dma_start3A_318 : memref<10000x128xf32, #tpu.memory_space<hbm>>) target(%arg10 : memref<80x128xf32, #tpu.memory_space<vmem>>) offsets(%arg14 : memref<80xi32, #tpu.memory_space<vmem>>) semaphore(%arg33 : memref<!tpu.dma_semaphore, #tpu.memory_space<semaphore_mem>>)
        } else {
        }
        %add3A_298 = arith.constant 8 : i32
        %add3A_299 = arith.addi %add3A_235, %add3A_298 : i32
        %lt3A_300 = arith.constant 125 : i32
        %lt3A_301 = arith.cmpi slt, %add3A_299, %lt3A_300 : i32
        %convert_element_type3A_302 = arith.extui %lt3A_301 : i1 to i32
        %cond3A_303 = arith.constant 0 : i32
        %cond3A_304 = arith.cmpi ne, %convert_element_type3A_302, %cond3A_303 : i32
        scf.if %cond3A_304 {
          %add3A_305 = arith.constant 8 : i32
          %add3A_306 = arith.addi %add3A_235, %add3A_305 : i32
          %dma_start3A_307 = arith.constant 0 : i32
          %dma_start3A_308 = arith.constant 0 : i32
          %dma_start3A_309 = tpu.memref_slice %arg3[%dma_start3A_307, %add3A, %add3A_306, %dma_start3A_308] : memref<2x32x125x80xi32, #tpu.memory_space<hbm>> -> memref<1x1x1x80xi32, #tpu.memory_space<hbm>>
          %dma_start3A_310 = tpu.memref_squeeze %dma_start3A_309 : memref<1x1x1x80xi32, #tpu.memory_space<hbm>> -> memref<80xi32, #tpu.memory_space<hbm>>
          %dma_start3A_311 = arith.constant 0 : i32
          %dma_start3A_312 = tpu.memref_slice %arg3[%dma_start3A_307, %add3A, %add3A_306, %dma_start3A_311] : memref<2x32x125x80xi32, #tpu.memory_space<hbm>> -> memref<1x1x1x80xi32, #tpu.memory_space<hbm>>
          %dma_start3A_313 = tpu.memref_squeeze %dma_start3A_312 : memref<1x1x1x80xi32, #tpu.memory_space<hbm>> -> memref<80xi32, #tpu.memory_space<hbm>>
          tpu.enqueue_dma source(%dma_start3A_313 : memref<80xi32, #tpu.memory_space<hbm>>) target(%arg18 : memref<80xi32, #tpu.memory_space<vmem>>) target_semaphore(%arg41 : memref<!tpu.dma_semaphore, #tpu.memory_space<semaphore_mem>>)
          %dma_start3A_314 = arith.constant 1 : i32
          %dma_start3A_315 = arith.constant 0 : i32
          %dma_start3A_316 = tpu.memref_slice %arg3[%dma_start3A_314, %add3A, %add3A_306, %dma_start3A_315] : memref<2x32x125x80xi32, #tpu.memory_space<hbm>> -> memref<1x1x1x80xi32, #tpu.memory_space<hbm>>
          %dma_start3A_317 = tpu.memref_squeeze %dma_start3A_316 : memref<1x1x1x80xi32, #tpu.memory_space<hbm>> -> memref<80xi32, #tpu.memory_space<hbm>>
          %dma_start3A_318 = arith.constant 0 : i32
          %dma_start3A_319 = tpu.memref_slice %arg3[%dma_start3A_314, %add3A, %add3A_306, %dma_start3A_318] : memref<2x32x125x80xi32, #tpu.memory_space<hbm>> -> memref<1x1x1x80xi32, #tpu.memory_space<hbm>>
          %dma_start3A_320 = tpu.memref_squeeze %dma_start3A_319 : memref<1x1x1x80xi32, #tpu.memory_space<hbm>> -> memref<80xi32, #tpu.memory_space<hbm>>
          tpu.enqueue_dma source(%dma_start3A_320 : memref<80xi32, #tpu.memory_space<hbm>>) target(%arg26 : memref<80xi32, #tpu.memory_space<vmem>>) target_semaphore(%arg49 : memref<!tpu.dma_semaphore, #tpu.memory_space<semaphore_mem>>)
        } else {
        }
      } else {
      }
      %eq3A_272 = arith.constant 7 : i32
      %eq3A_273 = arith.cmpi eq, %rem3A_236, %eq3A_272 : i32
      %convert_element_type3A_274 = arith.extui %eq3A_273 : i1 to i32
      %cond3A_275 = arith.constant 0 : i32
      %cond3A_276 = arith.cmpi ne, %convert_element_type3A_274, %cond3A_275 : i32
      scf.if %cond3A_276 {
        %dma_wait3A_277 = arith.constant 0 : i32
        %dma_wait3A_278 = arith.constant 0 : i32
        %dma_wait3A_279 = tpu.memref_slice %arg2[%dma_wait3A_277, %dma_wait3A_278] : memref<10000x128xf32, #tpu.memory_space<hbm>> -> memref<80x128xf32, #tpu.memory_space<hbm>>
        %dma_wait3A_280 = arith.constant 0 : i32
        %dma_wait3A_281 = arith.constant 0 : i32
        %dma_wait3A_282 = tpu.memref_slice %arg2[%dma_wait3A_280, %dma_wait3A_281] : memref<10000x128xf32, #tpu.memory_space<hbm>> -> memref<80x128xf32, #tpu.memory_space<hbm>>
        tpu.wait_dma2 semaphore(%arg34 : memref<!tpu.dma_semaphore, #tpu.memory_space<semaphore_mem>>) src(%dma_wait3A_282 : memref<80x128xf32, #tpu.memory_space<hbm>>) dst(%arg11 : memref<80x128xf32, #tpu.memory_space<vmem>>)
        %dma_wait3A_283 = arith.constant 1 : i32
        %dma_wait3A_284 = arith.constant 0 : i32
        %dma_wait3A_285 = arith.constant 0 : i32
        %dma_wait3A_286 = arith.constant 0 : i32
        %dma_wait3A_287 = tpu.memref_slice %arg3[%dma_wait3A_283, %dma_wait3A_284, %dma_wait3A_285, %dma_wait3A_286] : memref<2x32x125x80xi32, #tpu.memory_space<hbm>> -> memref<1x1x1x80xi32, #tpu.memory_space<hbm>>
        %dma_wait3A_288 = tpu.memref_squeeze %dma_wait3A_287 : memref<1x1x1x80xi32, #tpu.memory_space<hbm>> -> memref<80xi32, #tpu.memory_space<hbm>>
        %dma_wait3A_289 = arith.constant 0 : i32
        %dma_wait3A_290 = tpu.memref_slice %arg3[%dma_wait3A_283, %dma_wait3A_284, %dma_wait3A_285, %dma_wait3A_289] : memref<2x32x125x80xi32, #tpu.memory_space<hbm>> -> memref<1x1x1x80xi32, #tpu.memory_space<hbm>>
        %dma_wait3A_291 = tpu.memref_squeeze %dma_wait3A_290 : memref<1x1x1x80xi32, #tpu.memory_space<hbm>> -> memref<80xi32, #tpu.memory_space<hbm>>
        tpu.wait_dma2 semaphore(%arg50 : memref<!tpu.dma_semaphore, #tpu.memory_space<semaphore_mem>>) src(%dma_wait3A_291 : memref<80xi32, #tpu.memory_space<hbm>>) dst(%arg27 : memref<80xi32, #tpu.memory_space<vmem>>)
        "tpu.region"() ({
          %run_scoped3A = tpu.sem_alloc : memref<!tpu.dma_semaphore, #tpu.memory_space<semaphore_mem>>
          %dma_start3A_305 = arith.constant 0 : i32
          %dma_start3A_306 = arith.constant 0 : i32
          %dma_start3A_307 = tpu.memref_slice %arg29[%dma_start3A_305, %dma_start3A_306] : memref<10000x128xf32, #tpu.memory_space<vmem_shared>> -> memref<10000x128xf32, #tpu.memory_space<vmem_shared>>
          tpu.enqueue_indirect_dma source(%arg11 : memref<80x128xf32, #tpu.memory_space<vmem>>) target(%dma_start3A_307 : memref<10000x128xf32, #tpu.memory_space<vmem_shared>>) offsets(%arg27 : memref<80xi32, #tpu.memory_space<vmem>>) semaphore(%run_scoped3A : memref<!tpu.dma_semaphore, #tpu.memory_space<semaphore_mem>>) {add = true}
          %dma_wait3A_308 = arith.constant 0 : i32
          %dma_wait3A_309 = arith.constant 0 : i32
          %dma_wait3A_310 = tpu.memref_slice %arg29[%dma_wait3A_308, %dma_wait3A_309] : memref<10000x128xf32, #tpu.memory_space<vmem_shared>> -> memref<10000x128xf32, #tpu.memory_space<vmem_shared>>
          tpu.wait_indirect_dma semaphore(%run_scoped3A : memref<!tpu.dma_semaphore, #tpu.memory_space<semaphore_mem>>) src(%arg11 : memref<80x128xf32, #tpu.memory_space<vmem>>) dst(%dma_wait3A_310 : memref<10000x128xf32, #tpu.memory_space<vmem_shared>>)
          tpu.yield
        }) : () -> ()
        "tpu.region"() ({
          %run_scoped3A = tpu.sem_alloc : memref<!tpu.dma_semaphore, #tpu.memory_space<semaphore_mem>>
          %dma_start3A_305 = arith.constant 0 : i32
          %dma_start3A_306 = tpu.memref_slice %arg30[%dma_start3A_305] : memref<10000xf32, #tpu.memory_space<vmem_shared>> -> memref<10000xf32, #tpu.memory_space<vmem_shared>>
          tpu.enqueue_indirect_dma source(%arg28 : memref<80xf32, #tpu.memory_space<vmem>>) target(%dma_start3A_306 : memref<10000xf32, #tpu.memory_space<vmem_shared>>) offsets(%arg27 : memref<80xi32, #tpu.memory_space<vmem>>) semaphore(%run_scoped3A : memref<!tpu.dma_semaphore, #tpu.memory_space<semaphore_mem>>) {add = true}
          %dma_wait3A_307 = arith.constant 0 : i32
          %dma_wait3A_308 = tpu.memref_slice %arg30[%dma_wait3A_307] : memref<10000xf32, #tpu.memory_space<vmem_shared>> -> memref<10000xf32, #tpu.memory_space<vmem_shared>>
          tpu.wait_indirect_dma semaphore(%run_scoped3A : memref<!tpu.dma_semaphore, #tpu.memory_space<semaphore_mem>>) src(%arg28 : memref<80xf32, #tpu.memory_space<vmem>>) dst(%dma_wait3A_308 : memref<10000xf32, #tpu.memory_space<vmem_shared>>)
          tpu.yield
        }) : () -> ()
        %add3A_292 = arith.constant 4 : i32
        %add3A_293 = arith.addi %add3A_235, %add3A_292 : i32
        %lt3A = arith.constant 125 : i32
        %lt3A_294 = arith.cmpi slt, %add3A_293, %lt3A : i32
        %convert_element_type3A_295 = arith.extui %lt3A_294 : i1 to i32
        %cond3A_296 = arith.constant 0 : i32
        %cond3A_297 = arith.cmpi ne, %convert_element_type3A_295, %cond3A_296 : i32
        scf.if %cond3A_297 {
          %add3A_305 = arith.constant 4 : i32
          %add3A_306 = arith.addi %add3A_235, %add3A_305 : i32
          %dma_wait3A_307 = arith.constant 0 : i32
          %dma_wait3A_308 = arith.constant 0 : i32
          %dma_wait3A_309 = arith.constant 0 : i32
          %dma_wait3A_310 = arith.constant 0 : i32
          %dma_wait3A_311 = tpu.memref_slice %arg3[%dma_wait3A_307, %dma_wait3A_308, %dma_wait3A_309, %dma_wait3A_310] : memref<2x32x125x80xi32, #tpu.memory_space<hbm>> -> memref<1x1x1x80xi32, #tpu.memory_space<hbm>>
          %dma_wait3A_312 = tpu.memref_squeeze %dma_wait3A_311 : memref<1x1x1x80xi32, #tpu.memory_space<hbm>> -> memref<80xi32, #tpu.memory_space<hbm>>
          %dma_wait3A_313 = arith.constant 0 : i32
          %dma_wait3A_314 = tpu.memref_slice %arg3[%dma_wait3A_307, %dma_wait3A_308, %dma_wait3A_309, %dma_wait3A_313] : memref<2x32x125x80xi32, #tpu.memory_space<hbm>> -> memref<1x1x1x80xi32, #tpu.memory_space<hbm>>
          %dma_wait3A_315 = tpu.memref_squeeze %dma_wait3A_314 : memref<1x1x1x80xi32, #tpu.memory_space<hbm>> -> memref<80xi32, #tpu.memory_space<hbm>>
          tpu.wait_dma2 semaphore(%arg38 : memref<!tpu.dma_semaphore, #tpu.memory_space<semaphore_mem>>) src(%dma_wait3A_315 : memref<80xi32, #tpu.memory_space<hbm>>) dst(%arg15 : memref<80xi32, #tpu.memory_space<vmem>>)
          %dma_start3A_316 = arith.constant 0 : i32
          %dma_start3A_317 = arith.constant 0 : i32
          %dma_start3A_318 = tpu.memref_slice %arg2[%dma_start3A_316, %dma_start3A_317] : memref<10000x128xf32, #tpu.memory_space<hbm>> -> memref<10000x128xf32, #tpu.memory_space<hbm>>
          tpu.enqueue_indirect_dma source(%dma_start3A_318 : memref<10000x128xf32, #tpu.memory_space<hbm>>) target(%arg11 : memref<80x128xf32, #tpu.memory_space<vmem>>) offsets(%arg15 : memref<80xi32, #tpu.memory_space<vmem>>) semaphore(%arg34 : memref<!tpu.dma_semaphore, #tpu.memory_space<semaphore_mem>>)
        } else {
        }
        %add3A_298 = arith.constant 8 : i32
        %add3A_299 = arith.addi %add3A_235, %add3A_298 : i32
        %lt3A_300 = arith.constant 125 : i32
        %lt3A_301 = arith.cmpi slt, %add3A_299, %lt3A_300 : i32
        %convert_element_type3A_302 = arith.extui %lt3A_301 : i1 to i32
        %cond3A_303 = arith.constant 0 : i32
        %cond3A_304 = arith.cmpi ne, %convert_element_type3A_302, %cond3A_303 : i32
        scf.if %cond3A_304 {
          %add3A_305 = arith.constant 8 : i32
          %add3A_306 = arith.addi %add3A_235, %add3A_305 : i32
          %dma_start3A_307 = arith.constant 0 : i32
          %dma_start3A_308 = arith.constant 0 : i32
          %dma_start3A_309 = tpu.memref_slice %arg3[%dma_start3A_307, %add3A, %add3A_306, %dma_start3A_308] : memref<2x32x125x80xi32, #tpu.memory_space<hbm>> -> memref<1x1x1x80xi32, #tpu.memory_space<hbm>>
          %dma_start3A_310 = tpu.memref_squeeze %dma_start3A_309 : memref<1x1x1x80xi32, #tpu.memory_space<hbm>> -> memref<80xi32, #tpu.memory_space<hbm>>
          %dma_start3A_311 = arith.constant 0 : i32
          %dma_start3A_312 = tpu.memref_slice %arg3[%dma_start3A_307, %add3A, %add3A_306, %dma_start3A_311] : memref<2x32x125x80xi32, #tpu.memory_space<hbm>> -> memref<1x1x1x80xi32, #tpu.memory_space<hbm>>
          %dma_start3A_313 = tpu.memref_squeeze %dma_start3A_312 : memref<1x1x1x80xi32, #tpu.memory_space<hbm>> -> memref<80xi32, #tpu.memory_space<hbm>>
          tpu.enqueue_dma source(%dma_start3A_313 : memref<80xi32, #tpu.memory_space<hbm>>) target(%arg19 : memref<80xi32, #tpu.memory_space<vmem>>) target_semaphore(%arg42 : memref<!tpu.dma_semaphore, #tpu.memory_space<semaphore_mem>>)
          %dma_start3A_314 = arith.constant 1 : i32
          %dma_start3A_315 = arith.constant 0 : i32
          %dma_start3A_316 = tpu.memref_slice %arg3[%dma_start3A_314, %add3A, %add3A_306, %dma_start3A_315] : memref<2x32x125x80xi32, #tpu.memory_space<hbm>> -> memref<1x1x1x80xi32, #tpu.memory_space<hbm>>
          %dma_start3A_317 = tpu.memref_squeeze %dma_start3A_316 : memref<1x1x1x80xi32, #tpu.memory_space<hbm>> -> memref<80xi32, #tpu.memory_space<hbm>>
          %dma_start3A_318 = arith.constant 0 : i32
          %dma_start3A_319 = tpu.memref_slice %arg3[%dma_start3A_314, %add3A, %add3A_306, %dma_start3A_318] : memref<2x32x125x80xi32, #tpu.memory_space<hbm>> -> memref<1x1x1x80xi32, #tpu.memory_space<hbm>>
          %dma_start3A_320 = tpu.memref_squeeze %dma_start3A_319 : memref<1x1x1x80xi32, #tpu.memory_space<hbm>> -> memref<80xi32, #tpu.memory_space<hbm>>
          tpu.enqueue_dma source(%dma_start3A_320 : memref<80xi32, #tpu.memory_space<hbm>>) target(%arg27 : memref<80xi32, #tpu.memory_space<vmem>>) target_semaphore(%arg50 : memref<!tpu.dma_semaphore, #tpu.memory_space<semaphore_mem>>)
        } else {
        }
      } else {
      }
    }
    %scan3A_220 = arith.constant 125 : i32
    %barrier3A_221 = arith.constant 0 : index
    tpu.barrier barrier_id(%barrier3A_221)
    %mul3A_222 = arith.constant 624 : i32
    %mul3A_223 = arith.muli %arg1, %mul3A_222 : i32
    %mul3A_224 = arith.constant 624 : i32
    %mul3A_225 = arith.muli %arg1, %mul3A_224 : i32
    "tpu.region"() ({
      %run_scoped3A = tpu.sem_alloc : memref<!tpu.dma_semaphore, #tpu.memory_space<semaphore_mem>>
      %dma_start3A_231 = arith.constant 0 : i32
      %dma_start3A_232 = tpu.memref_slice %arg6[%arg0, %mul3A_225, %dma_start3A_231] : memref<2x10000x128xf32, #tpu.memory_space<hbm>> -> memref<1x624x128xf32, #tpu.memory_space<hbm>>
      %dma_start3A_233 = tpu.memref_squeeze %dma_start3A_232 : memref<1x624x128xf32, #tpu.memory_space<hbm>> -> memref<624x128xf32, #tpu.memory_space<hbm>>
      %dma_start3A_234 = arith.constant 0 : i32
      %dma_start3A_235 = tpu.memref_slice %arg29[%mul3A_223, %dma_start3A_234] : memref<10000x128xf32, #tpu.memory_space<vmem_shared>> -> memref<624x128xf32, #tpu.memory_space<vmem_shared>>
      tpu.enqueue_dma source(%dma_start3A_235 : memref<624x128xf32, #tpu.memory_space<vmem_shared>>) target(%dma_start3A_233 : memref<624x128xf32, #tpu.memory_space<hbm>>) target_semaphore(%run_scoped3A : memref<!tpu.dma_semaphore, #tpu.memory_space<semaphore_mem>>)
      %dma_wait3A_236 = arith.constant 0 : i32
      %dma_wait3A_237 = tpu.memref_slice %arg6[%arg0, %mul3A_225, %dma_wait3A_236] : memref<2x10000x128xf32, #tpu.memory_space<hbm>> -> memref<1x624x128xf32, #tpu.memory_space<hbm>>
      %dma_wait3A_238 = tpu.memref_squeeze %dma_wait3A_237 : memref<1x624x128xf32, #tpu.memory_space<hbm>> -> memref<624x128xf32, #tpu.memory_space<hbm>>
      %dma_wait3A_239 = arith.constant 0 : i32
      %dma_wait3A_240 = tpu.memref_slice %arg29[%mul3A_223, %dma_wait3A_239] : memref<10000x128xf32, #tpu.memory_space<vmem_shared>> -> memref<624x128xf32, #tpu.memory_space<vmem_shared>>
      tpu.wait_dma2 semaphore(%run_scoped3A : memref<!tpu.dma_semaphore, #tpu.memory_space<semaphore_mem>>) src(%dma_wait3A_240 : memref<624x128xf32, #tpu.memory_space<vmem_shared>>) dst(%dma_wait3A_238 : memref<624x128xf32, #tpu.memory_space<hbm>>)
      tpu.yield
    }) : () -> ()
    %eq3A_226 = arith.constant 0 : i32
    %eq3A_227 = arith.cmpi eq, %arg1, %eq3A_226 : i32
    %convert_element_type3A_228 = arith.extui %eq3A_227 : i1 to i32
    %cond3A_229 = arith.constant 0 : i32
    %cond3A_230 = arith.cmpi ne, %convert_element_type3A_228, %cond3A_229 : i32
    scf.if %cond3A_230 {
      "tpu.region"() ({
        %run_scoped3A = tpu.sem_alloc : memref<!tpu.dma_semaphore, #tpu.memory_space<semaphore_mem>>
        %dma_start3A_231 = arith.constant 9984 : i32
        %dma_start3A_232 = arith.constant 0 : i32
        %dma_start3A_233 = tpu.memref_slice %arg6[%arg0, %dma_start3A_231, %dma_start3A_232] : memref<2x10000x128xf32, #tpu.memory_space<hbm>> -> memref<1x16x128xf32, #tpu.memory_space<hbm>>
        %dma_start3A_234 = tpu.memref_squeeze %dma_start3A_233 : memref<1x16x128xf32, #tpu.memory_space<hbm>> -> memref<16x128xf32, #tpu.memory_space<hbm>>
        %dma_start3A_235 = arith.constant 9984 : i32
        %dma_start3A_236 = arith.constant 0 : i32
        %dma_start3A_237 = tpu.memref_slice %arg29[%dma_start3A_235, %dma_start3A_236] : memref<10000x128xf32, #tpu.memory_space<vmem_shared>> -> memref<16x128xf32, #tpu.memory_space<vmem_shared>>
        tpu.enqueue_dma source(%dma_start3A_237 : memref<16x128xf32, #tpu.memory_space<vmem_shared>>) target(%dma_start3A_234 : memref<16x128xf32, #tpu.memory_space<hbm>>) target_semaphore(%run_scoped3A : memref<!tpu.dma_semaphore, #tpu.memory_space<semaphore_mem>>)
        %dma_wait3A_238 = arith.constant 9984 : i32
        %dma_wait3A_239 = arith.constant 0 : i32
        %dma_wait3A_240 = tpu.memref_slice %arg6[%arg0, %dma_wait3A_238, %dma_wait3A_239] : memref<2x10000x128xf32, #tpu.memory_space<hbm>> -> memref<1x16x128xf32, #tpu.memory_space<hbm>>
        %dma_wait3A_241 = tpu.memref_squeeze %dma_wait3A_240 : memref<1x16x128xf32, #tpu.memory_space<hbm>> -> memref<16x128xf32, #tpu.memory_space<hbm>>
        %dma_wait3A_242 = arith.constant 9984 : i32
        %dma_wait3A_243 = arith.constant 0 : i32
        %dma_wait3A_244 = tpu.memref_slice %arg29[%dma_wait3A_242, %dma_wait3A_243] : memref<10000x128xf32, #tpu.memory_space<vmem_shared>> -> memref<16x128xf32, #tpu.memory_space<vmem_shared>>
        tpu.wait_dma2 semaphore(%run_scoped3A : memref<!tpu.dma_semaphore, #tpu.memory_space<semaphore_mem>>) src(%dma_wait3A_244 : memref<16x128xf32, #tpu.memory_space<vmem_shared>>) dst(%dma_wait3A_241 : memref<16x128xf32, #tpu.memory_space<hbm>>)
        tpu.yield
      }) : () -> ()
      "tpu.region"() ({
        %run_scoped3A = tpu.sem_alloc : memref<!tpu.dma_semaphore, #tpu.memory_space<semaphore_mem>>
        %dma_start3A_231 = arith.constant 0 : i32
        %dma_start3A_232 = tpu.memref_slice %arg7[%arg0, %dma_start3A_231] : memref<2x10000xf32, #tpu.memory_space<hbm>> -> memref<1x10000xf32, #tpu.memory_space<hbm>>
        %dma_start3A_233 = tpu.memref_squeeze %dma_start3A_232 : memref<1x10000xf32, #tpu.memory_space<hbm>> -> memref<10000xf32, #tpu.memory_space<hbm>>
        tpu.enqueue_dma source(%arg30 : memref<10000xf32, #tpu.memory_space<vmem_shared>>) target(%dma_start3A_233 : memref<10000xf32, #tpu.memory_space<hbm>>) target_semaphore(%run_scoped3A : memref<!tpu.dma_semaphore, #tpu.memory_space<semaphore_mem>>)
        %dma_wait3A_234 = arith.constant 0 : i32
        %dma_wait3A_235 = tpu.memref_slice %arg7[%arg0, %dma_wait3A_234] : memref<2x10000xf32, #tpu.memory_space<hbm>> -> memref<1x10000xf32, #tpu.memory_space<hbm>>
        %dma_wait3A_236 = tpu.memref_squeeze %dma_wait3A_235 : memref<1x10000xf32, #tpu.memory_space<hbm>> -> memref<10000xf32, #tpu.memory_space<hbm>>
        tpu.wait_dma2 semaphore(%run_scoped3A : memref<!tpu.dma_semaphore, #tpu.memory_space<semaphore_mem>>) src(%arg30 : memref<10000xf32, #tpu.memory_space<vmem_shared>>) dst(%dma_wait3A_236 : memref<10000xf32, #tpu.memory_space<hbm>>)
        tpu.yield
      }) : () -> ()
    } else {
    }
    return
  }
}

module attributes {stable_mosaic.version = 14 : i64} {
  func.func @_tc_body(%arg0: i32, %arg1: memref<2x1000x128xf32, #tpu.memory_space<vmem>>, %arg2: memref<1000x1xf32, #tpu.memory_space<vmem>>, %arg3: memref<1000x1xf32, #tpu.memory_space<vmem>>, %arg4: memref<1000x128xf32, #tpu.memory_space<vmem>>, %arg5: memref<128x128xf32, #tpu.memory_space<vmem>>, %arg6: memref<128x128xf32, #tpu.memory_space<vmem>>, %arg7: memref<1x128xf32, #tpu.memory_space<vmem>>, %arg8: memref<1000x128xf32, #tpu.memory_space<vmem>>) attributes {dimension_semantics = [#tpu.dimension_semantics<arbitrary>], iteration_bounds = array<i64: 10>, scalar_prefetch = 0 : i64, scratch_operands = 0 : i64, tpu.core_type = #tpu.core_type<tc>, window_params = [{transform_indices = @transform_0, window_bounds = array<i64: 2, 1000, 128>}, {transform_indices = @transform_1, window_bounds = array<i64: 1000, 1>}, {transform_indices = @transform_2, window_bounds = array<i64: 1000, 1>}, {transform_indices = @transform_3, window_bounds = array<i64: 1000, 128>}, {pipeline_mode = #tpu.pipeline_mode<synchronous>, transform_indices = @transform_4, window_bounds = array<i64: 128, 128>}, {pipeline_mode = #tpu.pipeline_mode<synchronous>, transform_indices = @transform_5, window_bounds = array<i64: 128, 128>}, {pipeline_mode = #tpu.pipeline_mode<synchronous>, transform_indices = @transform_6, window_bounds = array<i64: 1, 128>}, {transform_indices = @transform_7, window_bounds = array<i64: 1000, 128>}]} {
    %get3A = arith.constant 0 : index
    %get3A_0 = arith.constant 0 : index
    %get3A_1 = vector.load %arg2[%get3A, %get3A_0] : memref<1000x1xf32, #tpu.memory_space<vmem>>, vector<1000x1xf32>
    %get3A_2 = arith.constant 0 : index
    %get3A_3 = arith.constant 0 : index
    %get3A_4 = vector.load %arg3[%get3A_2, %get3A_3] : memref<1000x1xf32, #tpu.memory_space<vmem>>, vector<1000x1xf32>
    %add3A = arith.addf %get3A_1, %get3A_4 : vector<1000x1xf32>
    %max3A = arith.constant 1.000000e+00 : f32
    %max3A_5 = vector.broadcast %max3A : f32 to vector<1000x1xf32>
    %max3A_6 = arith.maximumf %add3A, %max3A_5 : vector<1000x1xf32>
    %get3A_7 = arith.constant 0 : index
    %get3A_8 = arith.constant 0 : index
    %get3A_9 = arith.constant 0 : index
    %get3A_10 = vector.load %arg1[%get3A_7, %get3A_8, %get3A_9] : memref<2x1000x128xf32, #tpu.memory_space<vmem>>, vector<1x1000x128xf32>
    %get3A_11 = vector.shape_cast %get3A_10 : vector<1x1000x128xf32> to vector<1000x128xf32>
    %get3A_12 = arith.constant 1 : index
    %get3A_13 = arith.constant 0 : index
    %get3A_14 = arith.constant 0 : index
    %get3A_15 = vector.load %arg1[%get3A_12, %get3A_13, %get3A_14] : memref<2x1000x128xf32, #tpu.memory_space<vmem>>, vector<1x1000x128xf32>
    %get3A_16 = vector.shape_cast %get3A_15 : vector<1x1000x128xf32> to vector<1000x128xf32>
    %add3A_17 = arith.addf %get3A_11, %get3A_16 : vector<1000x128xf32>
    %div3A = vector.broadcast %max3A_6 : vector<1000x1xf32> to vector<1000x128xf32>
    %div3A_18 = arith.divf %add3A_17, %div3A : vector<1000x128xf32>
    %get3A_19 = arith.constant 0 : index
    %get3A_20 = arith.constant 0 : index
    %get3A_21 = vector.load %arg5[%get3A_19, %get3A_20] : memref<128x128xf32, #tpu.memory_space<vmem>>, vector<128x128xf32>
    %dot_general3A = arith.constant dense<0.000000e+00> : vector<1000x128xf32>
    %dot_general3A_22 = tpu.matmul %div3A_18, %get3A_21, %dot_general3A {dimension_numbers = #tpu.dot_dimension_numbers<[1], [1], [0], [0], [0, 0, 1, 0], [], []>, transpose_lhs_hint = false} : vector<1000x128xf32>, vector<128x128xf32>, vector<1000x128xf32> -> vector<1000x128xf32>
    %get3A_23 = arith.constant 0 : index
    %get3A_24 = arith.constant 0 : index
    %get3A_25 = vector.load %arg4[%get3A_23, %get3A_24] : memref<1000x128xf32, #tpu.memory_space<vmem>>, vector<1000x128xf32>
    %get3A_26 = arith.constant 0 : index
    %get3A_27 = arith.constant 0 : index
    %get3A_28 = vector.load %arg6[%get3A_26, %get3A_27] : memref<128x128xf32, #tpu.memory_space<vmem>>, vector<128x128xf32>
    %dot_general3A_29 = arith.constant dense<0.000000e+00> : vector<1000x128xf32>
    %dot_general3A_30 = tpu.matmul %get3A_25, %get3A_28, %dot_general3A_29 {dimension_numbers = #tpu.dot_dimension_numbers<[1], [1], [0], [0], [0, 0, 1, 0], [], []>, transpose_lhs_hint = false} : vector<1000x128xf32>, vector<128x128xf32>, vector<1000x128xf32> -> vector<1000x128xf32>
    %add3A_31 = arith.addf %dot_general3A_22, %dot_general3A_30 : vector<1000x128xf32>
    %get3A_32 = arith.constant 0 : index
    %get3A_33 = arith.constant 0 : index
    %get3A_34 = vector.load %arg7[%get3A_32, %get3A_33] : memref<1x128xf32, #tpu.memory_space<vmem>>, vector<1x128xf32>
    %add3A_35 = vector.broadcast %get3A_34 : vector<1x128xf32> to vector<1000x128xf32>
    %add3A_36 = arith.addf %add3A_31, %add3A_35 : vector<1000x128xf32>
    %swap3A = arith.constant 0 : index
    %swap3A_37 = arith.constant 0 : index
    %swap3A_38 = vector.load %arg8[%swap3A, %swap3A_37] : memref<1000x128xf32, #tpu.memory_space<vmem>>, vector<1000x128xf32>
    tpu.vector_store %arg8[%swap3A, %swap3A_37], %add3A_36 {strides = array<i32>} : memref<1000x128xf32, #tpu.memory_space<vmem>>, vector<1000x128xf32>,
    return
  }
  func.func @transform_0(%arg0: i32) -> (i32, i32, i32) {
    %c0_i32 = arith.constant 0 : i32
    %c0_i32_0 = arith.constant 0 : i32
    %c0_i32_1 = arith.constant 0 : i32
    return %c0_i32, %arg0, %c0_i32_0 : i32, i32, i32
  }
  func.func @transform_1(%arg0: i32) -> (i32, i32) {
    %c0_i32 = arith.constant 0 : i32
    %c0_i32_0 = arith.constant 0 : i32
    return %arg0, %c0_i32 : i32, i32
  }
  func.func @transform_2(%arg0: i32) -> (i32, i32) {
    %c0_i32 = arith.constant 0 : i32
    %c0_i32_0 = arith.constant 0 : i32
    return %arg0, %c0_i32 : i32, i32
  }
  func.func @transform_3(%arg0: i32) -> (i32, i32) {
    %c0_i32 = arith.constant 0 : i32
    %c0_i32_0 = arith.constant 0 : i32
    return %arg0, %c0_i32 : i32, i32
  }
  func.func @transform_4(%arg0: i32) -> (i32, i32) {
    %c0_i32 = arith.constant 0 : i32
    %c0_i32_0 = arith.constant 0 : i32
    %c0_i32_1 = arith.constant 0 : i32
    return %c0_i32, %c0_i32_0 : i32, i32
  }
  func.func @transform_5(%arg0: i32) -> (i32, i32) {
    %c0_i32 = arith.constant 0 : i32
    %c0_i32_0 = arith.constant 0 : i32
    %c0_i32_1 = arith.constant 0 : i32
    return %c0_i32, %c0_i32_0 : i32, i32
  }
  func.func @transform_6(%arg0: i32) -> (i32, i32) {
    %c0_i32 = arith.constant 0 : i32
    %c0_i32_0 = arith.constant 0 : i32
    %c0_i32_1 = arith.constant 0 : i32
    return %c0_i32, %c0_i32_0 : i32, i32
  }
  func.func @transform_7(%arg0: i32) -> (i32, i32) {
    %c0_i32 = arith.constant 0 : i32
    %c0_i32_0 = arith.constant 0 : i32
    return %arg0, %c0_i32 : i32, i32
  }
}

</mosaic_0001>

<sc_bundles>
// kernel: kernel.4.cloned.1.call-start
scs
__scs_entry_jumppad:
0x0: {  	(pc) =	sbr.rel $0x88, $3  }
0x1: {  	(tag) =	ssettag $0x0;
	lr =	simm.s32 $0x1  }
0x2: {  	[smem:$0x3F9C] =	sst lr;
	_ =	strace $0xD0000000  }
0x3: {  	_ = 	snop  }
0x4: {  	_ = 	snop  }
0x5: {  	_ = 	snop  }
0x6: {  	_ = 	snop  }
0x7: {  	_ = 	snop  }
__scs_overlays_trampoline_lowered:
0x8: {  	[smem:$0x3FAB] =	sst s0  }
0x9: {  	[smem:$0x3FAC] =	sst s1  }
0xa: {  	[smem:$0x3FAD] =	sst s2  }
0xb: {  	[smem:$0x3FAE] =	sst s3  }
0xc: {  	[smem:$0x3FAF] =	sst s4  }
0xd: {  	[smem:$0x3FB0] =	sst s5  }
0xe: {  	[smem:$0x3FB1] =	sst s6  }
0xf: {  	[smem:$0x3FB2] =	sst s7  }
0x10: {  	[smem:$0x3FB3] =	sst s8  }
0x11: {  	[smem:$0x3FB4] =	sst s9;
	s0 =	simm.s32 @!p0 $0x0  }
0x12: {  	s1 =	sld [smem:$0x3F9A];
	s0 =	simm.s32 @p0 $0x1  }
0x13: {  	[smem:$0x3FB5] =	sst s0;
	s0 =	simm.s32 @!p1 $0x0  }
0x14: {  	s2 =	sld [smem:$0x3F99];
	s0 =	simm.s32 @p1 $0x1  }
0x15: {  	[smem:$0x3FB6] =	sst s0;
	s0 =	simm.s32 @!p2 $0x0  }
0x16: {  	s3 =	sld [smem:$0x3FDB];
	s0 =	simm.s32 @p2 $0x1  }
0x17: {  	s4 =	simm.s32 $0x1BF5;
	[smem:$0x3FB8] =	sst s0  }
0x18: {  	s0 =	sld [smem:$0x3F9B];
	_ =	swait.ge [sflag:s4], $0x0  }
0x19: {  	s7 =	sld [smem:$0x3F9C]  }
0x1a: {  	s8 =	sadd.s32 $0xFFFFE003, lr  }
0x1b: {  	s9 =	sadd.s32 $0xFFFFFEF7, lr;
	s5 =	simm.s32 $0xFFFFFFFF;
	p2 =	slt.u32 s8, $0xFFFFF086  }
0x1c: {  	p1 =	slt.u32 s9, $0xF7A;
	s5 =	simm.s32 @!p2 $0x0  }
0x1d: {  	s5 =	simm.s32 @p1 $0x1;
	p0 =	seq.s32 s7, s2  }
0x1e: {  	s7 =	smul.u32 @!p0 $0xF7A, s2;
	p2 =	seq.s32 @!p0 s5, $0x0  }
0x1f: {  	s9 =	smul.u32 $0xF7A, s1;
	s8 =	simm.s32 @!p0 $0x1BF5;
	p2 =	por !p2, p0  }
0x20: {  	[sflag:s8] =	ssyncset.s32 @!p0 $0xFFFFF086;
	s6 =	sadd.s32 @!p0 s3, s7;
	s7 =	simm.s32 @!p0 $0x108  }
0x21: {  	s3 =	sadd.s32 s3, s9;
	s6 =	sadd.s32 @!p0 $0x88, s6;
	s7 =	simm.s32 @p2 $0x1082  }
0x22: {  	[simem:s7], [sflag:s8] =	dma.local @!p0 [hbm:s6], $0xF7A  }
0x23: {  	s9 =	sor.u32 $0xD0000000, s2;
	s6 =	simm.s32 $0x108;
	_ =	swait.ge @!p0 [sflag:s8], $0x0  }
0x24: {  	s3 =	sadd.s32 $0x88, s3;
	s6 =	simm.s32 @!p1 $0x1082;
	[sflag:s4] =	ssyncset.s32 $0xFFFFF086  }
0x25: {  	[simem:s6], [sflag:s4] =	dma.local [hbm:s3], $0xF7A  }
0x26: {  	[smem:$0x3F9C] =	sst s1;
	(tag) =	ssettag s2;
	_ =	strace s9  }
0x27: {  	s1 =	sld [smem:$0x3FAC]  }
0x28: {  	s2 =	sld [smem:$0x3FAD]  }
0x29: {  	s4 =	sld [smem:$0x3FAF]  }
0x2a: {  	p0 =	seq.s32 s5, $0x0;
	s5 =	sld [smem:$0x3FB0]  }
0x2b: {  	s6 =	sld [smem:$0x3FB1]  }
0x2c: {  	s7 =	sld [smem:$0x3FB2]  }
0x2d: {  	s3 =	simm.s32 $0x108;
	s8 =	sld [smem:$0x3FB3]  }
0x2e: {  	s3 =	simm.s32 @!p0 $0x1082;
	s9 =	sld [smem:$0x3FB4]  }
0x2f: {  	lr =	sadd.s32 s0, s3;
	s0 =	sld [smem:$0x3FAB]  }
0x30: {  	s3 =	sld [smem:$0x3FAE]  }
0x31: {  	[smem:$0x3FB7] =	sst s10  }
0x32: {  	s10 =	sld [smem:$0x3FB5];
	_ =	sdelay $0x3  }
0x33: {  	p0 =	seq.s32 s10, $0x1;
	s10 =	sld [smem:$0x3FB7];
	_ =	sdelay $0x3  }
0x34: {  	[smem:$0x3FB7] =	sst s10  }
0x35: {  	s10 =	sld [smem:$0x3FB6];
	_ =	sdelay $0x3  }
0x36: {  	p1 =	seq.s32 s10, $0x1;
	s10 =	sld [smem:$0x3FB7];
	_ =	sdelay $0x3  }
0x37: {  	[smem:$0x3FB7] =	sst s10  }
0x38: {  	s10 =	sld [smem:$0x3FB8]  }
0x39: {  	_ = 	snop;
	(pc) =	sbr.ind lr, $3  }
0x3a: {  	_ = 	snop  }
0x3b: {  	_ = 	snop  }
0x3c: {  	p2 =	seq.s32 s10, $0x1;
	s10 =	sld [smem:$0x3FB7]  }
0x3d: {  	_ =	shalt  }
0x3e: {  	_ =	shalt  }
0x3f: {  	_ =	shalt  }
0x40: {  	_ =	shalt  }
0x41: {  	_ =	shalt  }
0x42: {  	_ =	shalt  }
0x43: {  	_ =	shalt  }
0x44: {  	_ =	shalt  }
0x45: {  	_ =	shalt  }
0x46: {  	_ =	shalt  }
0x47: {  	_ =	shalt  }
0x48: {  	_ =	shalt  }
0x49: {  	_ =	shalt  }
0x4a: {  	_ =	shalt  }
0x4b: {  	_ =	shalt  }
0x4c: {  	_ =	shalt  }
0x4d: {  	_ =	shalt  }
0x4e: {  	_ =	shalt  }
0x4f: {  	_ =	shalt  }
0x50: {  	_ =	shalt  }
0x51: {  	_ =	shalt  }
0x52: {  	_ =	shalt  }
0x53: {  	_ =	shalt  }
0x54: {  	_ =	shalt  }
0x55: {  	_ =	shalt  }
0x56: {  	_ =	shalt  }
0x57: {  	_ =	shalt  }
0x58: {  	_ =	shalt  }
0x59: {  	_ =	shalt  }
0x5a: {  	_ =	shalt  }
0x5b: {  	_ =	shalt  }
0x5c: {  	_ =	shalt  }
0x5d: {  	_ =	shalt  }
0x5e: {  	_ =	shalt  }
0x5f: {  	_ =	shalt  }
0x60: {  	_ =	shalt  }
0x61: {  	_ =	shalt  }
0x62: {  	_ =	shalt  }
0x63: {  	_ =	shalt  }
0x64: {  	_ =	shalt  }
0x65: {  	_ =	shalt  }
0x66: {  	_ =	shalt  }
0x67: {  	_ =	shalt  }
0x68: {  	_ =	shalt  }
0x69: {  	_ =	shalt  }
0x6a: {  	_ =	shalt  }
0x6b: {  	_ =	shalt  }
0x6c: {  	_ =	shalt  }
0x6d: {  	_ =	shalt  }
0x6e: {  	_ =	shalt  }
0x6f: {  	_ =	shalt  }
0x70: {  	_ =	shalt  }
0x71: {  	_ =	shalt  }
0x72: {  	_ =	shalt  }
0x73: {  	_ =	shalt  }
0x74: {  	_ =	shalt  }
0x75: {  	_ =	shalt  }
0x76: {  	_ =	shalt  }
0x77: {  	_ =	shalt  }
0x78: {  	_ =	shalt  }
0x79: {  	_ =	shalt  }
0x7a: {  	_ =	shalt  }
0x7b: {  	_ =	shalt  }
0x7c: {  	_ =	shalt  }
0x7d: {  	_ =	shalt  }
0x7e: {  	_ =	shalt  }
0x7f: {  	_ =	shalt  }
0x80: {  	_ =	shalt  }
0x81: {  	_ =	shalt  }
0x82: {  	_ =	shalt  }
0x83: {  	_ =	shalt  }
0x84: {  	_ =	shalt  }
0x85: {  	_ =	shalt  }
0x86: {  	_ =	shalt  }
0x87: {  	_ =	shalt  }
.Lfunc_end0:
.L_simem_size_0:
called_computation_lowered:
.L_overlay_start_0:
0x88: {  	s2 =	sld [smem:$0x3FD9]  }
0x89: {  	s3 =	sld [smem:$0x3FFE];
	_ =	sdelay $0x1  }
0x8a: {  	s1 =	srdreg.scid  }
0x8b: {  	s0 =	sand.u32 $0x1, s1  }
0x8c: {  	s17 =	sshll.u32 s0, $0xA;
	s2 =	sadd.s32 s3, s2  }
0x8d: {  	s2 =	sadd.s32 s2, s17  }
0x8e: {  	[smem:$0x3FC3] =	sst s2  }
0x8f: {  	_ = 	snop  }
0x90: {  	s2 =	sld [smem:$0x3FC9]  }
0x91: {  	s18 =	sld [smem:$0x3FD0];
	(tm) =	ssettm $0x1  }
0x92: {  	s4 =	sld [smem:$0x3FFB];
	_ =	sdelay $0x3  }
0x93: {  	_ =	strace s4  }
0x94: {  	s4 =	sld [smem:$0x3FFC];
	_ =	sdelay $0x3  }
0x95: {  	_ =	strace s4  }
0x96: {  	s4 =	sld [smem:$0x3FFD];
	_ =	sdelay $0x3  }
0x97: {  	_ =	strace s4  }
0x98: {  	_ =	strace $0x8FFFFFFF  }
0x99: {  	s19 =	sld [smem:$0x3FDB];
	_ =	sdelay $0x1  }
0x9a: {  	s5 =	simm.s32 $_scs_section_size  }
0x9b: {  	s6 =	simm.s32 $_size__tile_overlayer_lowered;
	s7 =	simm.s32 $_tile_overlayer_lowered  }
0x9c: {  	s22 =	simm.s32 $0x1BFF;
	s21 =	sshll.u32 s7, $0x1;
	s4 =	sadd.s32 s5, s19  }
0x9d: {  	s8 =	simm.s32 $0x0;
	s20 =	sshll.u32 s6, $0x1;
	s6 =	sadd.s32 s21, s4  }
0x9e: {  	[timem:s8], [sflag:s22] =	dma.local [hbm:s6], s20  }
0x9f: {  	_ =	swait.ge [sflag:s22], s20  }
0xa0: {  	s5 =	ssub.s32 $0x0, s20;
	[sflag:s22] =	ssyncset.done $0x0  }
0xa1: {  	[sflag:s22] =	ssyncadd.s32 s5;
	_ =	sdelay $0x1  }
0xa2: {  	s23 =	simm.s32 $0x1B8B  }
0xa3: {  	_ =	swait.ge [sflag:s23], $0x1  }
0xa4: {  	[sflag:s23] =	ssyncset.done $0x0  }
0xa5: {  	s25 =	simm.s32 $0x1B8E;
	s24 =	sld [smem:$0x3FFE];
	[sflag:s23] =	ssyncadd.s32 $0xFFFFFFFF  }
0xa6: {  	s26 =	simm.s32 $execute0_lowered;
	[smem:$0x3FD2] =	sst s25  }
0xa7: {  	s6 =	sshll.u32 s26, $0x1;
	_ =	strace $0x80000046;
	[dreg:$0x1] =	wrdreg $0xFFFFFFFF  }
0xa8: {  	s28 =	simm.s32 $_size_execute0_lowered;
	s4 =	sadd.s32 s4, s6;
	[dreg:$0x0] =	wrdreg $0x0  }
0xa9: {  	s6 =	sshll.u32 s28, $0x1;
	[dreg:$0x2] =	wrdreg s4  }
0xaa: {  	[dreg:$0x3] =	wrdreg s6  }
0xab: {  	[dreg:$0x4] =	wrdreg $0xC0  }
0xac: {  	_ =	task [dreg:s8], $0x5FFFF  }
0xad: {  	[dreg:$0x1] =	wrdreg $0xFFFFFFFF  }
0xae: {  	[dreg:$0x0] =	wrdreg $0x60  }
0xaf: {  	[dreg:$0x2] =	wrdreg s2  }
0xb0: {  	[dreg:$0x3] =	wrdreg s18  }
0xb1: {  	[dreg:$0x4] =	wrdreg s24  }
0xb2: {  	[dreg:$0x5] =	wrdreg $0xA8800  }
0xb3: {  	[dreg:$0x6] =	wrdreg $0x1E1000  }
0xb4: {  	[dreg:$0x7] =	wrdreg $0x9  }
0xb5: {  	_ =	task.clear_ibuf [dreg:s8], $0x8FFFF;
	_ =	strace $0x90000046  }
0xb6: {  	s29 =	simm.s32 $0x9;
	_ =	strace $0x80000048  }
0xb7: {  	_ =	swait.ge [sflag:s29], $0x1  }
0xb8: {  	[sflag:s29] =	ssyncadd.s32 $0xFFFFFFFF  }
0xb9: {  	_ =	strace $0x90000048  }
0xba: {  	_ =	sfence  }
0xbb: {  	s30 =	sld [smem:$0x0];
	_ =	sdelay $0x2  }
0xbc: {  	s31 =	sshll.u32 s1, $0xD;
	s1 =	sshrl.u32 s1, $0x2  }
0xbd: {  	s3 =	sand.u32 $0x4000, s31;
	s1 =	sadd.s32 s1, s30  }
0xbe: {  	s0 =	sor.u32 s3, s0;
	s1 =	sshll.u32 s1, $0x11  }
0xbf: {  	s0 =	sor.u32 s1, s0  }
0xc0: {  	s0 =	sadd.s32 $0x8F2B, s0  }
0xc1: {  	[sflag:s0] =	ssyncadd.remote.s32 $0x1  }
0xc2: {  	_ =	sfence.sel $0xFFFF  }
0xc3: {  	[dreg:$0x0] =	wrdreg $0xFFFFFFFF;
	(pc) =	sbr.abs _section_cstart, $3  }
0xc4: {  	[dreg:$0x1] =	wrdreg $0xFFFFFFFF  }
0xc5: {  	_ =	task.clear_ibuf [dreg:s8], $0x2FFFF;
	_ =	strace $0x9FFFFFFF  }
0xc6: {  	(tm) =	ssettm $0x7FFFFFFF  }
0xc7: {  	_ =	shalt  }
tec
execute0_lowered:
.L_overlay_start_1:
0x0: {  	(tag) =	ssettag $0x1  }
0x1: {  	s1 =	rddreg [dreg:$0x0]  }
0x2: {  	s2 =	rddreg [dreg:$0x1]  }
0x3: {  	s0 =	rddreg [dreg:$0x2]  }
0x4: {  	s3 =	rddreg [dreg:$0x3]  }
0x5: {  	s4 =	rddreg [dreg:$0x4]  }
0x6: {  	s5 =	simm.s32 $0x0;
	s7 =	srdreg.scid;
	s8 =	stileid.u32  }
0x7: {  	[smem:$0x7FF] =	sst s5;
	s6 =	sadd.s32 $0x1E00, s0;
	s7 =	sand.u32 $0x1, s7  }
0x8: {  	s9 =	smul.u32 $0x4E000, s8;
	s10 =	sadd.s32 $0x1800, s0;
	s12 =	sadd.s32 $0x3600, s0  }
0x9: {  	s24 =	sshll.u32 s8, $0x6;
	s25 =	sshll.u32 s8, $0xF;
	s18 =	smul.u32 $0x13800, s8  }
0xa: {  	s19 =	sadd.s32 $0x138000, s3;
	p0 =	sne.s32 s8, $0x0;
	_ =	strace $0x80000047  }
0xb: {  	[dreg:$0x6] =	wrdreg s10;
	s22 =	ssub.s32 $0x2, s7;
	s11 =	sshll.u32 s7, $0x4  }
0xc: {  	s26 =	sshll.u32 s7, $0xE;
	[dreg:$0x8] =	wrdreg s19;
	s13 =	sshrl.u32 s22, $0x1  }
0xd: {  	s9 =	sshrl.u32 s9, $0x2;
	s0 =	sadd.s32 s11, s0;
	s10 =	sor.u32 s26, s25  }
0xe: {  	s14 =	ssub.s32 s22, s13;
	s23 =	sadd.s32 s9, s3;
	s11 =	sor.u32 $0x80000, s10  }
0xf: {  	s28 =	sshrl.u32 s10, $0x3;
	s0 =	sadd.s32 $0x2C00, s0;
	[dreg:$0x7] =	wrdreg s23  }
0x10: {  	s17 =	sshrl.u32 s11, $0x3;
	[dreg:$0x11] =	wrdreg s0;
	s22 =	smax.u32 s14, $0x1  }
0x11: {  	s13 =	sadd.s32 s2, s28;
	s17 =	sadd.s32 s2, s17;
	[dreg:$0x12] =	wrdreg s22  }
0x12: {  	s7 =	smul.u32 $0x138800, s7;
	s29 =	sadd.s32 $0x10, s13;
	[dreg:$0x9] =	wrdreg s17  }
0x13: {  	s9 =	sor.u32 $0x1C15, s24;
	s30 =	sadd.s32 $0x10010, s13;
	[dreg:$0xa] =	wrdreg s29  }
0x14: {  	s31 =	sadd.s32 s18, s7;
	s19 =	sadd.s32 $0x20, s13;
	[dreg:$0xb] =	wrdreg s30  }
0x15: {  	s7 =	sshrl.u32 s7, $0x3;
	s20 =	sadd.s32 $0x10020, s13;
	[dreg:$0xc] =	wrdreg s19  }
0x16: {  	s7 =	sadd.s32 s12, s7;
	s21 =	sadd.s32 $0x30, s13;
	[dreg:$0xe] =	wrdreg s20  }
0x17: {  	s15 =	sadd.s32 $0x6800, s23;
	s7 =	sadd.s32 $0x27000, s7;
	[dreg:$0xf] =	wrdreg s21  }
0x18: {  	s16 =	sadd.s32 $0xD000, s23;
	s23 =	sshrl.u32 s15, $0x3;
	[dreg:$0x10] =	wrdreg s7  }
0x19: {  	s24 =	sshrl.u32 s16, $0x3;
	s25 =	sadd.s32 $0x10030, s13;
	[dreg:$0x13] =	wrdreg s23  }
0x1a: {  	s26 =	sadd.s32 $0x40, s13;
	s28 =	sadd.s32 $0x10040, s13;
	[dreg:$0x14] =	wrdreg s24  }
0x1b: {  	s14 =	sadd.s32 $0x10070, s13;
	s15 =	simm.s32 $0x15;
	[dreg:$0x15] =	wrdreg s25  }
0x1c: {  	s22 =	simm.s32 $0x6;
	s17 =	sshrl.u32 s31, $0x3;
	[dreg:$0x16] =	wrdreg s26  }
0x1d: {  	[dreg:$0x17] =	wrdreg s28;
	s29 =	sadd.s32 $0x50, s13;
	s30 =	sadd.s32 $0x10050, s13  }
.Ltmp0:
0x1e: {  	s31 =	sadd.s32 $0x60, s13;
	s7 =	sadd.s32 $0x10060, s13;
	(pc) =	sbr.rel .LBB2_1-.Ltmp0, $4  }
0x1f: {  	s19 =	simm.s32 $0xA180;
	s20 =	simm.s32 $0x5;
	[dreg:$0x18] =	wrdreg s29  }
0x20: {  	s21 =	simm.s32 $0x50;
	s23 =	simm.s32 $0x7;
	[dreg:$0x19] =	wrdreg s30  }
0x21: {  	s24 =	simm.s32 $0x8;
	s17 =	sadd.s32 s12, s17;
	[dreg:$0x1a] =	wrdreg s31  }
0x22: {  	v0 =	vimm.f32 $1.000000000e+00;
	s25 =	simm.s32 $0x0;
	s12 =	sadd.s32 $0x70, s13;
	[dreg:$0xd] =	wrdreg s17  }
.LBB2_10:
0x23: {  	[bflag:$0x0] =	sbarrier.arrive $0xFFFF  }
0x24: {  	s0 =	rddreg [dreg:$0xd]  }
0x25: {  	[hbm:s0], [sflag:s9] =	dma.local [spmem:s26], $0x2700  }
0x26: {  	_ =	swait.ge [sflag:s15], $0x2700  }
0x27: {  	[sflag:s15] =	ssyncset.done $0x0  }
0x28: {  	s0 =	rddreg [dreg:$0x10];
	[sflag:s15] =	ssyncadd.s32 $0xFFFFD900  }
0x29: {  	[hbm:s0], [sflag:s9] =	dma.local @!p0 [spmem:s16], $0x100  }
0x2a: {  	s0 =	simm.s32 @!p0 $0x15  }
0x2b: {  	_ =	swait.ge @!p0 [sflag:s0], $0x100  }
0x2c: {  	s8 =	simm.s32 @!p0 $0x1;
	s17 =	simm.s32 @!p0 $0x10;
	[sflag:s0] =	ssyncset.done @!p0 $0x0  }
0x2d: {  	s16 =	simm.s32 @!p0 $0x20;
	s18 =	rddreg [dreg:$0x11];
	[sflag:s0] =	ssyncadd.s32 @!p0 $0xFFFFFF00  }
0x2e: {  	[hbm:s18@s16], [sflag:s9] =	dma.strided @!p0 [spmem:s28@s17], $0x4F0, s8, $0x10   }
0x2f: {  	_ =	swait.ge @!p0 [sflag:s0], $0x4F0  }
0x30: {  	s25 =	sadd.s32 $0x1, s25;
	s31 =	rddreg [dreg:$0x12]  }
0x31: {  	p1 =	sne.s32 s25, s31  }
.Ltmp1:
0x32: {  	_ = 	snop;
	(pc) =	sbr.rel @!p1 .LBB2_11-.Ltmp1, $3  }
0x33: {  	_ =	sdelay $0x1  }
0x34: {  	[sflag:s0] =	ssyncset.done @!p0 $0x0  }
0x35: {  	[sflag:s0] =	ssyncadd.s32 @!p0 $0xFFFFFB10  }
.LBB2_1:
0x36: {  	[tilespmem:$0xA800] =	vst v0  }
0x37: {  	[tilespmem:$0xA810] =	vst v0  }
0x38: {  	[tilespmem:$0xA820] =	vst v0  }
0x39: {  	[tilespmem:$0xA830] =	vst v0;
	s0 =	rddreg [dreg:$0x7]  }
0x3a: {  	[tilespmem:$0xA840] =	vst v0;
	s26 =	sshrl.u32 s0, $0x3  }
0x3b: {  	[spmem:s26], [sflag:s9] =	dma.local [hbm:s6], $0xD00  }
0x3c: {  	_ =	swait.ge [sflag:s15], $0xD00  }
0x3d: {  	[sflag:s15] =	ssyncset.done $0x0  }
0x3e: {  	s16 =	rddreg [dreg:$0x13];
	[sflag:s15] =	ssyncadd.s32 $0xFFFFF300  }
0x3f: {  	[spmem:s16], [sflag:s9] =	dma.local [hbm:s6], $0xD00  }
0x40: {  	_ =	swait.ge [sflag:s15], $0xD00  }
0x41: {  	[sflag:s15] =	ssyncset.done $0x0  }
0x42: {  	s17 =	rddreg [dreg:$0x14];
	[sflag:s15] =	ssyncadd.s32 $0xFFFFF300  }
0x43: {  	[spmem:s17], [sflag:s9] =	dma.local [hbm:s6], $0xD00  }
0x44: {  	_ =	swait.ge [sflag:s15], $0xD00  }
0x45: {  	[sflag:s15] =	ssyncset.done $0x0;
	s0 =	rddreg [dreg:$0x8]  }
0x46: {  	s8 =	simm.s32 @!p0 $0x15;
	[sflag:s15] =	ssyncadd.s32 $0xFFFFF300;
	s16 =	sshrl.u32 @!p0 s0, $0x3  }
0x47: {  	[spmem:s16], [sflag:s9] =	dma.local @!p0 [hbm:s6], $0x100  }
0x48: {  	_ =	swait.ge @!p0 [sflag:s8], $0x100  }
0x49: {  	[sflag:s8] =	ssyncset.done @!p0 $0x0  }
0x4a: {  	s28 =	sshrl.u32 @!p0 s4, $0x3;
	s0 =	rddreg [dreg:$0x6];
	[sflag:s8] =	ssyncadd.s32 @!p0 $0xFFFFFF00  }
0x4b: {  	[spmem:s28], [sflag:s9] =	dma.local @!p0 [hbm:s0], $0x4F0  }
0x4c: {  	_ =	swait.ge @!p0 [sflag:s8], $0x4F0  }
0x4d: {  	[sflag:s8] =	ssyncset.done @!p0 $0x0  }
0x4e: {  	[sflag:s8] =	ssyncadd.s32 @!p0 $0xFFFFFB10  }
0x4f: {  	s8 =	simm.s32 $0xA000;
	[bflag:$0x0] =	sbarrier.arrive $0xFFFF  }
0x50: {  	[tilespmem:s8], [sflag:$0x5] =	stream.linear.gather [hbm4b:s13+s5], $0x80, $0x38;
	[tilespmem:$0x1E378] =	vst v63  }
0x51: {  	s17 =	simm.s32 $0xA400;
	s18 =	rddreg [dreg:$0x9]  }
0x52: {  	[tilespmem:s17], [sflag:$0xD] =	stream.linear.gather [hbm4b:s18+s5], $0x80, $0x38;
	[tilespmem:$0x1E378] =	vst v63  }
0x53: {  	s30 =	rddreg [dreg:$0xa];
	s17 =	simm.s32 $0xA080  }
0x54: {  	[tilespmem:s17], [sflag:$0x6] =	stream.linear.gather [hbm4b:s30+s5], $0x80, $0x38;
	[tilespmem:$0x1E378] =	vst v63  }
0x55: {  	s31 =	rddreg [dreg:$0xb];
	s18 =	simm.s32 $0xA480  }
0x56: {  	[tilespmem:s18], [sflag:$0xE] =	stream.linear.gather [hbm4b:s31+s5], $0x80, $0x38;
	[tilespmem:$0x1E378] =	vst v63  }
0x57: {  	s30 =	rddreg [dreg:$0xc];
	s18 =	simm.s32 $0xA100  }
0x58: {  	[tilespmem:s18], [sflag:$0x7] =	stream.linear.gather [hbm4b:s30+s5], $0x80, $0x38;
	[tilespmem:$0x1E378] =	vst v63  }
0x59: {  	s29 =	simm.s32 $0xA500;
	s31 =	rddreg [dreg:$0xe]  }
0x5a: {  	[tilespmem:s29], [sflag:$0xF] =	stream.linear.gather [hbm4b:s31+s5], $0x80, $0x38;
	[tilespmem:$0x1E378] =	vst v63  }
0x5b: {  	s30 =	rddreg [dreg:$0xf]  }
0x5c: {  	[tilespmem:s19], [sflag:$0x8] =	stream.linear.gather [hbm4b:s30+s5], $0x80, $0x38;
	[tilespmem:$0x1E378] =	vst v63  }
0x5d: {  	s31 =	rddreg [dreg:$0x15];
	s29 =	simm.s32 $0xA580  }
0x5e: {  	[tilespmem:s29], [sflag:$0x10] =	stream.linear.gather [hbm4b:s31+s5], $0x80, $0x38;
	[tilespmem:$0x1E378] =	vst v63  }
0x5f: {  	s30 =	rddreg [dreg:$0x16];
	s29 =	simm.s32 $0xA200  }
0x60: {  	[tilespmem:s29], [sflag:$0x9] =	stream.linear.gather [hbm4b:s30+s5], $0x80, $0x38;
	[tilespmem:$0x1E378] =	vst v63  }
0x61: {  	s31 =	rddreg [dreg:$0x17];
	s29 =	simm.s32 $0xA600  }
0x62: {  	[tilespmem:s29], [sflag:$0x11] =	stream.linear.gather [hbm4b:s31+s5], $0x80, $0x38;
	[tilespmem:$0x1E378] =	vst v63  }
0x63: {  	s30 =	rddreg [dreg:$0x18];
	s29 =	simm.s32 $0xA280  }
0x64: {  	[tilespmem:s29], [sflag:$0xA] =	stream.linear.gather [hbm4b:s30+s5], $0x80, $0x38;
	[tilespmem:$0x1E378] =	vst v63  }
0x65: {  	s31 =	rddreg [dreg:$0x19];
	s29 =	simm.s32 $0xA680  }
0x66: {  	[tilespmem:s29], [sflag:$0x12] =	stream.linear.gather [hbm4b:s31+s5], $0x80, $0x38;
	[tilespmem:$0x1E378] =	vst v63  }
0x67: {  	s30 =	rddreg [dreg:$0x1a];
	s29 =	simm.s32 $0xA300  }
0x68: {  	[tilespmem:s29], [sflag:$0xB] =	stream.linear.gather [hbm4b:s30+s5], $0x80, $0x38;
	[tilespmem:$0x1E378] =	vst v63  }
0x69: {  	s31 =	simm.s32 $0xA700  }
0x6a: {  	[tilespmem:s31], [sflag:$0x13] =	stream.linear.gather [hbm4b:s7+s5], $0x80, $0x38;
	[tilespmem:$0x1E378] =	vst v63  }
0x6b: {  	s30 =	simm.s32 $0xA380  }
0x6c: {  	[tilespmem:s30], [sflag:$0xC] =	stream.linear.gather [hbm4b:s12+s5], $0x80, $0x38;
	[tilespmem:$0x1E378] =	vst v63  }
0x6d: {  	s31 =	simm.s32 $0xA780  }
0x6e: {  	[tilespmem:s31], [sflag:$0x14] =	stream.linear.gather [hbm4b:s14+s5], $0x80, $0x38;
	[tilespmem:$0x1E378] =	vst v63  }
0x6f: {  	_ =	swait.ge [sflag:s20], $0x80  }
0x70: {  	[sflag:s20] =	ssyncset.done $0x0  }
0x71: {  	[sflag:s20] =	ssyncadd.s32 $0xFFFFFF80  }
0x72: {  	[tilespmem:s5], [sflag:$0x1] =	stream.indirect.gather [hbm4b:s1+s21], $0x80, s8, s21, $0xb8;
	[tilespmem:$0x1E378] =	vst v63  }
0x73: {  	_ =	swait.ge [sflag:s22], $0x80  }
0x74: {  	[sflag:s22] =	ssyncset.done $0x0  }
0x75: {  	s8 =	simm.s32 $0x2800;
	[sflag:s22] =	ssyncadd.s32 $0xFFFFFF80  }
0x76: {  	[tilespmem:s8], [sflag:$0x2] =	stream.indirect.gather [hbm4b:s1+s21], $0x80, s17, s21, $0xb8;
	[tilespmem:$0x1E378] =	vst v63  }
0x77: {  	_ =	swait.ge [sflag:s23], $0x80  }
0x78: {  	[sflag:s23] =	ssyncset.done $0x0  }
0x79: {  	s30 =	simm.s32 $0x5000;
	[sflag:s23] =	ssyncadd.s32 $0xFFFFFF80  }
0x7a: {  	[tilespmem:s30], [sflag:$0x3] =	stream.indirect.gather [hbm4b:s1+s21], $0x80, s18, s21, $0xb8;
	[tilespmem:$0x1E378] =	vst v63  }
.Ltmp2:
0x7b: {  	_ = 	snop;
	(pc) =	sbr.rel .LBB2_2-.Ltmp2, $4  }
0x7c: {  	_ =	swait.ge [sflag:s24], $0x80  }
0x7d: {  	s29 =	simm.s32 $0x0;
	[sflag:s24] =	ssyncset.done $0x0  }
0x7e: {  	s31 =	simm.s32 $0x7800;
	s8 =	simm.s32 $0x0;
	[sflag:s24] =	ssyncadd.s32 $0xFFFFFF80  }
0x7f: {  	[tilespmem:s31], [sflag:$0x4] =	stream.indirect.gather [hbm4b:s1+s21], $0x80, s19, s21, $0xb8;
	[tilespmem:$0x1E378] =	vst v63  }
.LBB2_8:
0x80: {  	p1 =	seq.s32 s30, $0x6  }
0x81: {  	s0 =	simm.s32 @p1 $0x3  }
0x82: {  	_ =	swait.ge @p1 [sflag:s0], $0x2800  }
0x83: {  	[sflag:s0] =	ssyncset.done @p1 $0x0  }
0x84: {  	[sflag:s0] =	ssyncadd.s32 @p1 $0xFFFFD800;
	s0 =	simm.s32 @p1 $0x13  }
0x85: {  	_ =	swait.ge @p1 [sflag:s0], $0x80  }
0x86: {  	s17 =	simm.s32 @p1 $0xA700;
	[sflag:s0] =	ssyncset.done @p1 $0x0  }
0x87: {  	s18 =	simm.s32 @p1 $0x5000;
	[sflag:s0] =	ssyncadd.s32 @p1 $0xFFFFFF80;
	s0 =	simm.s32 @p1 $0x50  }
0x88: {  	[spmem:s3] =	stream.indirect.scatter.add.f32 @p1 [tilespmem:s18], [sflag:$0x15], $0x80, s17, s0, $0xb8;
	[tilespmem:$0x1E378] =	vst v63  }
0x89: {  	s18 =	simm.s32 @p1 $0x15  }
0x8a: {  	_ =	swait.ge @p1 [sflag:s18], $0x2800  }
0x8b: {  	[sflag:s18] =	ssyncset.done @p1 $0x0  }
0x8c: {  	s30 =	simm.s32 @p1 $0xA800;
	[sflag:s18] =	ssyncadd.s32 @p1 $0xFFFFD800  }
0x8d: {  	[spmem:s4] =	stream.indirect.scatter.add.f32 @p1 [tilespmem:s30], [sflag:$0x15], $0x1, s17, s0, $0xb8;
	[tilespmem:$0x1E378] =	vst v63  }
0x8e: {  	p2 =	sgt.u32 @p1 s8, $0x78;
	_ =	swait.ge @p1 [sflag:s18], $0x50  }
0x8f: {  	p3 =	por p2, !p1;
	[sflag:s18] =	ssyncset.done @p1 $0x0  }
0x90: {  	s0 =	simm.s32 @!p3 $0x7;
	[sflag:s18] =	ssyncadd.s32 @p1 $0xFFFFFFB0  }
0x91: {  	_ =	swait.ge @!p3 [sflag:s0], $0x80  }
0x92: {  	s17 =	simm.s32 @!p3 $0xA100;
	[sflag:s0] =	ssyncset.done @!p3 $0x0  }
0x93: {  	s18 =	simm.s32 @!p3 $0x5000;
	[sflag:s0] =	ssyncadd.s32 @!p3 $0xFFFFFF80;
	s0 =	simm.s32 @!p3 $0x50  }
0x94: {  	[tilespmem:s18], [sflag:$0x3] =	stream.indirect.gather @!p3 [hbm4b:s1+s0], $0x80, s17, s0, $0xb8;
	[tilespmem:$0x1E378] =	vst v63  }
0x95: {  	p3 =	sgt.u32 @!p3 s8, $0x74  }
0x96: {  	p2 =	por @p1 p3, p2  }
0x97: {  	p2 =	por p2, !p1  }
0x98: {  	s0 =	sadd.s32 @!p2 $0x400, s29  }
0x99: {  	s0 =	sand.u32 @!p2 $0x7C00, s0  }
0x9a: {  	s18 =	sand.u32 @!p2 $0x380, s29;
	s17 =	sadd.s32 @!p2 s10, s0  }
0x9b: {  	s0 =	sadd.s32 @!p2 s11, s0;
	s17 =	sor.u32 @!p2 s18, s17  }
0x9c: {  	s30 =	simm.s32 @!p2 $0x0;
	s0 =	sor.u32 @!p2 s18, s0;
	s17 =	sshrl.u32 @!p2 s17, $0x3  }
0x9d: {  	s31 =	simm.s32 @!p2 $0xA300;
	s0 =	sshrl.u32 @!p2 s0, $0x3;
	s17 =	sadd.s32 @!p2 s2, s17  }
0x9e: {  	[tilespmem:s31], [sflag:$0xB] =	stream.linear.gather @!p2 [hbm4b:s17+s30], $0x80, $0x38;
	[tilespmem:$0x1E378] =	vst v63  }
0x9f: {  	s0 =	sadd.s32 @!p2 s2, s0;
	s17 =	simm.s32 @!p2 $0xA700  }
0xa0: {  	[tilespmem:s17], [sflag:$0x13] =	stream.linear.gather @!p2 [hbm4b:s0+s30], $0x80, $0x38;
	[tilespmem:$0x1E378] =	vst v63  }
0xa1: {  	s0 =	simm.s32 @!p1 $0x4  }
0xa2: {  	_ =	swait.ge @!p1 [sflag:s0], $0x2800  }
0xa3: {  	[sflag:s0] =	ssyncset.done @!p1 $0x0  }
0xa4: {  	[sflag:s0] =	ssyncadd.s32 @!p1 $0xFFFFD800;
	s0 =	simm.s32 @!p1 $0x14  }
0xa5: {  	_ =	swait.ge @!p1 [sflag:s0], $0x80  }
0xa6: {  	s18 =	simm.s32 @!p1 $0x7800;
	[sflag:s0] =	ssyncset.done @!p1 $0x0  }
0xa7: {  	s17 =	simm.s32 @!p1 $0xA780;
	[sflag:s0] =	ssyncadd.s32 @!p1 $0xFFFFFF80;
	s0 =	simm.s32 @!p1 $0x50  }
0xa8: {  	[spmem:s3] =	stream.indirect.scatter.add.f32 @!p1 [tilespmem:s18], [sflag:$0x15], $0x80, s17, s0, $0xb8;
	[tilespmem:$0x1E378] =	vst v63  }
0xa9: {  	s18 =	simm.s32 @!p1 $0x15  }
0xaa: {  	_ =	swait.ge @!p1 [sflag:s18], $0x2800  }
0xab: {  	[sflag:s18] =	ssyncset.done @!p1 $0x0  }
0xac: {  	s30 =	simm.s32 @!p1 $0xA800;
	[sflag:s18] =	ssyncadd.s32 @!p1 $0xFFFFD800  }
0xad: {  	[spmem:s4] =	stream.indirect.scatter.add.f32 @!p1 [tilespmem:s30], [sflag:$0x15], $0x1, s17, s0, $0xb8;
	[tilespmem:$0x1E378] =	vst v63  }
0xae: {  	p2 =	sgt.u32 @!p1 s8, $0x78;
	_ =	swait.ge @!p1 [sflag:s18], $0x50  }
0xaf: {  	p3 =	por p2, p1;
	[sflag:s18] =	ssyncset.done @!p1 $0x0  }
0xb0: {  	s0 =	simm.s32 @!p3 $0x8;
	[sflag:s18] =	ssyncadd.s32 @!p1 $0xFFFFFFB0  }
0xb1: {  	_ =	swait.ge @!p3 [sflag:s0], $0x80  }
0xb2: {  	s17 =	simm.s32 @!p3 $0xA180;
	[sflag:s0] =	ssyncset.done @!p3 $0x0  }
0xb3: {  	s18 =	simm.s32 @!p3 $0x7800;
	[sflag:s0] =	ssyncadd.s32 @!p3 $0xFFFFFF80;
	s0 =	simm.s32 @!p3 $0x50  }
0xb4: {  	[tilespmem:s18], [sflag:$0x4] =	stream.indirect.gather @!p3 [hbm4b:s1+s0], $0x80, s17, s0, $0xb8;
	[tilespmem:$0x1E378] =	vst v63  }
0xb5: {  	p3 =	sgt.u32 @!p3 s8, $0x74  }
0xb6: {  	p2 =	por @!p1 p3, p2  }
0xb7: {  	p1 =	por p2, p1  }
0xb8: {  	s0 =	sadd.s32 @!p1 $0x400, s29  }
0xb9: {  	s0 =	sand.u32 @!p1 $0x7C00, s0  }
0xba: {  	s18 =	sand.u32 @!p1 $0x380, s29;
	s17 =	sadd.s32 @!p1 s10, s0  }
0xbb: {  	s0 =	sadd.s32 @!p1 s11, s0;
	s17 =	sor.u32 @!p1 s18, s17  }
0xbc: {  	s30 =	simm.s32 @!p1 $0x0;
	s0 =	sor.u32 @!p1 s18, s0;
	s17 =	sshrl.u32 @!p1 s17, $0x3  }
0xbd: {  	s31 =	simm.s32 @!p1 $0xA380;
	s0 =	sshrl.u32 @!p1 s0, $0x3;
	s17 =	sadd.s32 @!p1 s2, s17  }
0xbe: {  	[tilespmem:s31], [sflag:$0xC] =	stream.linear.gather @!p1 [hbm4b:s17+s30], $0x80, $0x38;
	[tilespmem:$0x1E378] =	vst v63  }
0xbf: {  	s0 =	sadd.s32 @!p1 s2, s0;
	s17 =	simm.s32 @!p1 $0xA780  }
0xc0: {  	[tilespmem:s17], [sflag:$0x14] =	stream.linear.gather @!p1 [hbm4b:s0+s30], $0x80, $0x38;
	[tilespmem:$0x1E378] =	vst v63  }
.LBB2_9:
0xc1: {  	s8 =	sadd.s32 $0x1, s8  }
0xc2: {  	p1 =	sne.s32 s8, $0x7D  }
.Ltmp3:
0xc3: {  	_ = 	snop;
	(pc) =	sbr.rel @!p1 .LBB2_10-.Ltmp3, $2  }
0xc4: {  	_ =	sdelay $0x2  }
0xc5: {  	s29 =	sadd.s32 $0x80, s29  }
.LBB2_2:
0xc6: {  	s30 =	sand.u32 $0x7, s8  }
0xc7: {  	p1 =	sgt.s32 s30, $0x3  }
.Ltmp4:
0xc8: {  	_ = 	snop;
	(pc) =	sbr.rel @p1 .LBB2_6-.Ltmp4, $1  }
0xc9: {  	_ =	sdelay $0x3  }
0xca: {  	p1 =	sgt.s32 s30, $0x1  }
.Ltmp5:
0xcb: {  	_ = 	snop;
	(pc) =	sbr.rel @p1 .LBB2_5-.Ltmp5, $1  }
0xcc: {  	_ =	sdelay $0x3  }
0xcd: {  	p1 =	seq.s32 s30, $0x0  }
0xce: {  	s30 =	simm.s32 @p1 $0x1  }
0xcf: {  	_ =	swait.ge @p1 [sflag:s30], $0x2800  }
0xd0: {  	[sflag:s30] =	ssyncset.done @p1 $0x0  }
0xd1: {  	[sflag:s30] =	ssyncadd.s32 @p1 $0xFFFFD800;
	s30 =	simm.s32 @p1 $0xD  }
0xd2: {  	_ =	swait.ge @p1 [sflag:s30], $0x80  }
0xd3: {  	s17 =	simm.s32 @p1 $0xA400;
	[sflag:s30] =	ssyncset.done @p1 $0x0  }
0xd4: {  	s31 =	simm.s32 @p1 $0x0;
	[sflag:s30] =	ssyncadd.s32 @p1 $0xFFFFFF80;
	s30 =	simm.s32 @p1 $0x50  }
0xd5: {  	[spmem:s3] =	stream.indirect.scatter.add.f32 @p1 [tilespmem:s31], [sflag:$0x15], $0x80, s17, s30, $0xb8;
	[tilespmem:$0x1E378] =	vst v63  }
0xd6: {  	s31 =	simm.s32 @p1 $0x15  }
0xd7: {  	_ =	swait.ge @p1 [sflag:s31], $0x2800  }
0xd8: {  	[sflag:s31] =	ssyncset.done @p1 $0x0  }
0xd9: {  	s0 =	simm.s32 @p1 $0xA800;
	[sflag:s31] =	ssyncadd.s32 @p1 $0xFFFFD800  }
0xda: {  	[spmem:s4] =	stream.indirect.scatter.add.f32 @p1 [tilespmem:s0], [sflag:$0x15], $0x1, s17, s30, $0xb8;
	[tilespmem:$0x1E378] =	vst v63  }
0xdb: {  	p2 =	sgt.u32 @p1 s8, $0x78;
	_ =	swait.ge @p1 [sflag:s31], $0x50  }
0xdc: {  	p3 =	por p2, !p1;
	[sflag:s31] =	ssyncset.done @p1 $0x0  }
0xdd: {  	s0 =	simm.s32 @!p3 $0x9;
	[sflag:s31] =	ssyncadd.s32 @p1 $0xFFFFFFB0  }
0xde: {  	_ =	swait.ge @!p3 [sflag:s0], $0x80  }
0xdf: {  	s17 =	simm.s32 @!p3 $0xA200;
	[sflag:s0] =	ssyncset.done @!p3 $0x0  }
0xe0: {  	s30 =	simm.s32 @!p3 $0x0;
	[sflag:s0] =	ssyncadd.s32 @!p3 $0xFFFFFF80;
	s0 =	simm.s32 @!p3 $0x50  }
0xe1: {  	[tilespmem:s30], [sflag:$0x1] =	stream.indirect.gather @!p3 [hbm4b:s1+s0], $0x80, s17, s0, $0xb8;
	[tilespmem:$0x1E378] =	vst v63  }
0xe2: {  	p3 =	sgt.u32 @!p3 s8, $0x74  }
0xe3: {  	p2 =	por @p1 p3, p2  }
0xe4: {  	p2 =	por p2, !p1  }
0xe5: {  	s0 =	sadd.s32 @!p2 $0x400, s29  }
0xe6: {  	s0 =	sand.u32 @!p2 $0x7C00, s0  }
0xe7: {  	s30 =	sand.u32 @!p2 $0x380, s29;
	s17 =	sadd.s32 @!p2 s10, s0  }
0xe8: {  	s0 =	sadd.s32 @!p2 s11, s0;
	s17 =	sor.u32 @!p2 s30, s17  }
0xe9: {  	s31 =	simm.s32 @!p2 $0x0;
	s0 =	sor.u32 @!p2 s30, s0;
	s17 =	sshrl.u32 @!p2 s17, $0x3  }
0xea: {  	s18 =	simm.s32 @!p2 $0xA000;
	s0 =	sshrl.u32 @!p2 s0, $0x3;
	s17 =	sadd.s32 @!p2 s2, s17  }
0xeb: {  	[tilespmem:s18], [sflag:$0x5] =	stream.linear.gather @!p2 [hbm4b:s17+s31], $0x80, $0x38;
	[tilespmem:$0x1E378] =	vst v63  }
0xec: {  	s0 =	sadd.s32 @!p2 s2, s0;
	s17 =	simm.s32 @!p2 $0xA400  }
0xed: {  	[tilespmem:s17], [sflag:$0xD] =	stream.linear.gather @!p2 [hbm4b:s0+s31], $0x80, $0x38;
	[tilespmem:$0x1E378] =	vst v63  }
0xee: {  	s0 =	simm.s32 @!p1 $0x2  }
0xef: {  	_ =	swait.ge @!p1 [sflag:s0], $0x2800  }
0xf0: {  	[sflag:s0] =	ssyncset.done @!p1 $0x0  }
0xf1: {  	[sflag:s0] =	ssyncadd.s32 @!p1 $0xFFFFD800;
	s0 =	simm.s32 @!p1 $0xE  }
0xf2: {  	_ =	swait.ge @!p1 [sflag:s0], $0x80  }
0xf3: {  	s18 =	simm.s32 @!p1 $0x2800;
	[sflag:s0] =	ssyncset.done @!p1 $0x0  }
0xf4: {  	s17 =	simm.s32 @!p1 $0xA480;
	[sflag:s0] =	ssyncadd.s32 @!p1 $0xFFFFFF80;
	s0 =	simm.s32 @!p1 $0x50  }
0xf5: {  	[spmem:s3] =	stream.indirect.scatter.add.f32 @!p1 [tilespmem:s18], [sflag:$0x15], $0x80, s17, s0, $0xb8;
	[tilespmem:$0x1E378] =	vst v63  }
0xf6: {  	s18 =	simm.s32 @!p1 $0x15  }
0xf7: {  	_ =	swait.ge @!p1 [sflag:s18], $0x2800  }
0xf8: {  	[sflag:s18] =	ssyncset.done @!p1 $0x0  }
0xf9: {  	s30 =	simm.s32 @!p1 $0xA800;
	[sflag:s18] =	ssyncadd.s32 @!p1 $0xFFFFD800  }
0xfa: {  	[spmem:s4] =	stream.indirect.scatter.add.f32 @!p1 [tilespmem:s30], [sflag:$0x15], $0x1, s17, s0, $0xb8;
	[tilespmem:$0x1E378] =	vst v63  }
0xfb: {  	p2 =	sgt.u32 @!p1 s8, $0x78;
	_ =	swait.ge @!p1 [sflag:s18], $0x50  }
0xfc: {  	p3 =	por p2, p1;
	[sflag:s18] =	ssyncset.done @!p1 $0x0  }
0xfd: {  	s0 =	simm.s32 @!p3 $0xA;
	[sflag:s18] =	ssyncadd.s32 @!p1 $0xFFFFFFB0  }
0xfe: {  	_ =	swait.ge @!p3 [sflag:s0], $0x80  }
0xff: {  	s17 =	simm.s32 @!p3 $0xA280;
	[sflag:s0] =	ssyncset.done @!p3 $0x0  }
0x100: {  	s18 =	simm.s32 @!p3 $0x2800;
	[sflag:s0] =	ssyncadd.s32 @!p3 $0xFFFFFF80;
	s0 =	simm.s32 @!p3 $0x50  }
0x101: {  	[tilespmem:s18], [sflag:$0x2] =	stream.indirect.gather @!p3 [hbm4b:s1+s0], $0x80, s17, s0, $0xb8;
	[tilespmem:$0x1E378] =	vst v63  }
0x102: {  	p3 =	sgt.u32 @!p3 s8, $0x74  }
0x103: {  	p2 =	por @!p1 p3, p2  }
0x104: {  	p1 =	por p2, p1  }
0x105: {  	s0 =	sadd.s32 @!p1 $0x400, s29  }
0x106: {  	s0 =	sand.u32 @!p1 $0x7C00, s0  }
0x107: {  	s18 =	sand.u32 @!p1 $0x380, s29;
	s17 =	sadd.s32 @!p1 s10, s0  }
0x108: {  	s30 =	simm.s32 @!p1 $0x0;
	s0 =	sadd.s32 @!p1 s11, s0;
	s17 =	sor.u32 @!p1 s18, s17  }
.Ltmp6:
0x109: {  	s0 =	sor.u32 @!p1 s18, s0;
	s17 =	sshrl.u32 @!p1 s17, $0x3;
	(pc) =	sbr.rel .LBB2_9-.Ltmp6, $4  }
0x10a: {  	s31 =	simm.s32 @!p1 $0xA080;
	s0 =	sshrl.u32 @!p1 s0, $0x3;
	s17 =	sadd.s32 @!p1 s2, s17  }
0x10b: {  	[tilespmem:s31], [sflag:$0x6] =	stream.linear.gather @!p1 [hbm4b:s17+s30], $0x80, $0x38;
	[tilespmem:$0x1E378] =	vst v63  }
0x10c: {  	s0 =	sadd.s32 @!p1 s2, s0;
	s17 =	simm.s32 @!p1 $0xA480  }
0x10d: {  	[tilespmem:s17], [sflag:$0xE] =	stream.linear.gather @!p1 [hbm4b:s0+s30], $0x80, $0x38;
	[tilespmem:$0x1E378] =	vst v63  }
.LBB2_6:
0x10e: {  	p1 =	sgt.s32 s30, $0x5  }
.Ltmp7:
0x10f: {  	_ = 	snop;
	(pc) =	sbr.rel @p1 .LBB2_8-.Ltmp7, $1  }
0x110: {  	_ =	sdelay $0x3  }
0x111: {  	p1 =	seq.s32 s30, $0x4  }
0x112: {  	s0 =	simm.s32 @p1 $0x1  }
0x113: {  	_ =	swait.ge @p1 [sflag:s0], $0x2800  }
0x114: {  	[sflag:s0] =	ssyncset.done @p1 $0x0  }
0x115: {  	[sflag:s0] =	ssyncadd.s32 @p1 $0xFFFFD800;
	s0 =	simm.s32 @p1 $0x11  }
0x116: {  	_ =	swait.ge @p1 [sflag:s0], $0x80  }
0x117: {  	s17 =	simm.s32 @p1 $0xA600;
	[sflag:s0] =	ssyncset.done @p1 $0x0  }
0x118: {  	s18 =	simm.s32 @p1 $0x0;
	[sflag:s0] =	ssyncadd.s32 @p1 $0xFFFFFF80;
	s0 =	simm.s32 @p1 $0x50  }
0x119: {  	[spmem:s3] =	stream.indirect.scatter.add.f32 @p1 [tilespmem:s18], [sflag:$0x15], $0x80, s17, s0, $0xb8;
	[tilespmem:$0x1E378] =	vst v63  }
0x11a: {  	s18 =	simm.s32 @p1 $0x15  }
0x11b: {  	_ =	swait.ge @p1 [sflag:s18], $0x2800  }
0x11c: {  	[sflag:s18] =	ssyncset.done @p1 $0x0  }
0x11d: {  	s30 =	simm.s32 @p1 $0xA800;
	[sflag:s18] =	ssyncadd.s32 @p1 $0xFFFFD800  }
0x11e: {  	[spmem:s4] =	stream.indirect.scatter.add.f32 @p1 [tilespmem:s30], [sflag:$0x15], $0x1, s17, s0, $0xb8;
	[tilespmem:$0x1E378] =	vst v63  }
0x11f: {  	p2 =	sgt.u32 @p1 s8, $0x78;
	_ =	swait.ge @p1 [sflag:s18], $0x50  }
0x120: {  	p3 =	por p2, !p1;
	[sflag:s18] =	ssyncset.done @p1 $0x0  }
0x121: {  	s0 =	simm.s32 @!p3 $0x5;
	[sflag:s18] =	ssyncadd.s32 @p1 $0xFFFFFFB0  }
0x122: {  	_ =	swait.ge @!p3 [sflag:s0], $0x80  }
0x123: {  	s17 =	simm.s32 @!p3 $0xA000;
	[sflag:s0] =	ssyncset.done @!p3 $0x0  }
0x124: {  	s18 =	simm.s32 @!p3 $0x0;
	[sflag:s0] =	ssyncadd.s32 @!p3 $0xFFFFFF80;
	s0 =	simm.s32 @!p3 $0x50  }
0x125: {  	[tilespmem:s18], [sflag:$0x1] =	stream.indirect.gather @!p3 [hbm4b:s1+s0], $0x80, s17, s0, $0xb8;
	[tilespmem:$0x1E378] =	vst v63  }
0x126: {  	p3 =	sgt.u32 @!p3 s8, $0x74  }
0x127: {  	p2 =	por @p1 p3, p2  }
0x128: {  	p2 =	por p2, !p1  }
0x129: {  	s0 =	sadd.s32 @!p2 $0x400, s29  }
0x12a: {  	s0 =	sand.u32 @!p2 $0x7C00, s0  }
0x12b: {  	s18 =	sand.u32 @!p2 $0x380, s29;
	s17 =	sadd.s32 @!p2 s10, s0  }
0x12c: {  	s0 =	sadd.s32 @!p2 s11, s0;
	s17 =	sor.u32 @!p2 s18, s17  }
0x12d: {  	s30 =	simm.s32 @!p2 $0x0;
	s0 =	sor.u32 @!p2 s18, s0;
	s17 =	sshrl.u32 @!p2 s17, $0x3  }
0x12e: {  	s31 =	simm.s32 @!p2 $0xA200;
	s0 =	sshrl.u32 @!p2 s0, $0x3;
	s17 =	sadd.s32 @!p2 s2, s17  }
0x12f: {  	[tilespmem:s31], [sflag:$0x9] =	stream.linear.gather @!p2 [hbm4b:s17+s30], $0x80, $0x38;
	[tilespmem:$0x1E378] =	vst v63  }
0x130: {  	s0 =	sadd.s32 @!p2 s2, s0;
	s17 =	simm.s32 @!p2 $0xA600  }
0x131: {  	[tilespmem:s17], [sflag:$0x11] =	stream.linear.gather @!p2 [hbm4b:s0+s30], $0x80, $0x38;
	[tilespmem:$0x1E378] =	vst v63  }
0x132: {  	s0 =	simm.s32 @!p1 $0x2  }
0x133: {  	_ =	swait.ge @!p1 [sflag:s0], $0x2800  }
0x134: {  	[sflag:s0] =	ssyncset.done @!p1 $0x0  }
0x135: {  	[sflag:s0] =	ssyncadd.s32 @!p1 $0xFFFFD800;
	s0 =	simm.s32 @!p1 $0x12  }
0x136: {  	_ =	swait.ge @!p1 [sflag:s0], $0x80  }
0x137: {  	s18 =	simm.s32 @!p1 $0x2800;
	[sflag:s0] =	ssyncset.done @!p1 $0x0  }
0x138: {  	s17 =	simm.s32 @!p1 $0xA680;
	[sflag:s0] =	ssyncadd.s32 @!p1 $0xFFFFFF80;
	s0 =	simm.s32 @!p1 $0x50  }
0x139: {  	[spmem:s3] =	stream.indirect.scatter.add.f32 @!p1 [tilespmem:s18], [sflag:$0x15], $0x80, s17, s0, $0xb8;
	[tilespmem:$0x1E378] =	vst v63  }
0x13a: {  	s18 =	simm.s32 @!p1 $0x15  }
0x13b: {  	_ =	swait.ge @!p1 [sflag:s18], $0x2800  }
0x13c: {  	[sflag:s18] =	ssyncset.done @!p1 $0x0  }
0x13d: {  	s30 =	simm.s32 @!p1 $0xA800;
	[sflag:s18] =	ssyncadd.s32 @!p1 $0xFFFFD800  }
0x13e: {  	[spmem:s4] =	stream.indirect.scatter.add.f32 @!p1 [tilespmem:s30], [sflag:$0x15], $0x1, s17, s0, $0xb8;
	[tilespmem:$0x1E378] =	vst v63  }
0x13f: {  	p2 =	sgt.u32 @!p1 s8, $0x78;
	_ =	swait.ge @!p1 [sflag:s18], $0x50  }
0x140: {  	p3 =	por p2, p1;
	[sflag:s18] =	ssyncset.done @!p1 $0x0  }
0x141: {  	s0 =	simm.s32 @!p3 $0x6;
	[sflag:s18] =	ssyncadd.s32 @!p1 $0xFFFFFFB0  }
0x142: {  	_ =	swait.ge @!p3 [sflag:s0], $0x80  }
0x143: {  	s17 =	simm.s32 @!p3 $0xA080;
	[sflag:s0] =	ssyncset.done @!p3 $0x0  }
0x144: {  	s18 =	simm.s32 @!p3 $0x2800;
	[sflag:s0] =	ssyncadd.s32 @!p3 $0xFFFFFF80;
	s0 =	simm.s32 @!p3 $0x50  }
0x145: {  	[tilespmem:s18], [sflag:$0x2] =	stream.indirect.gather @!p3 [hbm4b:s1+s0], $0x80, s17, s0, $0xb8;
	[tilespmem:$0x1E378] =	vst v63  }
0x146: {  	p3 =	sgt.u32 @!p3 s8, $0x74  }
0x147: {  	p2 =	por @!p1 p3, p2  }
0x148: {  	p1 =	por p2, p1  }
0x149: {  	s0 =	sadd.s32 @!p1 $0x400, s29  }
0x14a: {  	s0 =	sand.u32 @!p1 $0x7C00, s0  }
0x14b: {  	s18 =	sand.u32 @!p1 $0x380, s29;
	s17 =	sadd.s32 @!p1 s10, s0  }
0x14c: {  	s30 =	simm.s32 @!p1 $0x0;
	s0 =	sadd.s32 @!p1 s11, s0;
	s17 =	sor.u32 @!p1 s18, s17  }
.Ltmp8:
0x14d: {  	s0 =	sor.u32 @!p1 s18, s0;
	s17 =	sshrl.u32 @!p1 s17, $0x3;
	(pc) =	sbr.rel .LBB2_9-.Ltmp8, $4  }
0x14e: {  	s31 =	simm.s32 @!p1 $0xA280;
	s0 =	sshrl.u32 @!p1 s0, $0x3;
	s17 =	sadd.s32 @!p1 s2, s17  }
0x14f: {  	[tilespmem:s31], [sflag:$0xA] =	stream.linear.gather @!p1 [hbm4b:s17+s30], $0x80, $0x38;
	[tilespmem:$0x1E378] =	vst v63  }
0x150: {  	s0 =	sadd.s32 @!p1 s2, s0;
	s17 =	simm.s32 @!p1 $0xA680  }
0x151: {  	[tilespmem:s17], [sflag:$0x12] =	stream.linear.gather @!p1 [hbm4b:s0+s30], $0x80, $0x38;
	[tilespmem:$0x1E378] =	vst v63  }
.LBB2_5:
0x152: {  	p1 =	seq.s32 s30, $0x2  }
0x153: {  	s0 =	simm.s32 @p1 $0x3  }
0x154: {  	_ =	swait.ge @p1 [sflag:s0], $0x2800  }
0x155: {  	[sflag:s0] =	ssyncset.done @p1 $0x0  }
0x156: {  	[sflag:s0] =	ssyncadd.s32 @p1 $0xFFFFD800;
	s0 =	simm.s32 @p1 $0xF  }
0x157: {  	_ =	swait.ge @p1 [sflag:s0], $0x80  }
0x158: {  	s17 =	simm.s32 @p1 $0xA500;
	[sflag:s0] =	ssyncset.done @p1 $0x0  }
0x159: {  	s18 =	simm.s32 @p1 $0x5000;
	[sflag:s0] =	ssyncadd.s32 @p1 $0xFFFFFF80;
	s0 =	simm.s32 @p1 $0x50  }
0x15a: {  	[spmem:s3] =	stream.indirect.scatter.add.f32 @p1 [tilespmem:s18], [sflag:$0x15], $0x80, s17, s0, $0xb8;
	[tilespmem:$0x1E378] =	vst v63  }
0x15b: {  	s18 =	simm.s32 @p1 $0x15  }
0x15c: {  	_ =	swait.ge @p1 [sflag:s18], $0x2800  }
0x15d: {  	[sflag:s18] =	ssyncset.done @p1 $0x0  }
0x15e: {  	s30 =	simm.s32 @p1 $0xA800;
	[sflag:s18] =	ssyncadd.s32 @p1 $0xFFFFD800  }
0x15f: {  	[spmem:s4] =	stream.indirect.scatter.add.f32 @p1 [tilespmem:s30], [sflag:$0x15], $0x1, s17, s0, $0xb8;
	[tilespmem:$0x1E378] =	vst v63  }
0x160: {  	p2 =	sgt.u32 @p1 s8, $0x78;
	_ =	swait.ge @p1 [sflag:s18], $0x50  }
0x161: {  	p3 =	por p2, !p1;
	[sflag:s18] =	ssyncset.done @p1 $0x0  }
0x162: {  	s0 =	simm.s32 @!p3 $0xB;
	[sflag:s18] =	ssyncadd.s32 @p1 $0xFFFFFFB0  }
0x163: {  	_ =	swait.ge @!p3 [sflag:s0], $0x80  }
0x164: {  	s17 =	simm.s32 @!p3 $0xA300;
	[sflag:s0] =	ssyncset.done @!p3 $0x0  }
0x165: {  	s18 =	simm.s32 @!p3 $0x5000;
	[sflag:s0] =	ssyncadd.s32 @!p3 $0xFFFFFF80;
	s0 =	simm.s32 @!p3 $0x50  }
0x166: {  	[tilespmem:s18], [sflag:$0x3] =	stream.indirect.gather @!p3 [hbm4b:s1+s0], $0x80, s17, s0, $0xb8;
	[tilespmem:$0x1E378] =	vst v63  }
0x167: {  	p3 =	sgt.u32 @!p3 s8, $0x74  }
0x168: {  	p2 =	por @p1 p3, p2  }
0x169: {  	p2 =	por p2, !p1  }
0x16a: {  	s0 =	sadd.s32 @!p2 $0x400, s29  }
0x16b: {  	s0 =	sand.u32 @!p2 $0x7C00, s0  }
0x16c: {  	s18 =	sand.u32 @!p2 $0x380, s29;
	s17 =	sadd.s32 @!p2 s10, s0  }
0x16d: {  	s0 =	sadd.s32 @!p2 s11, s0;
	s17 =	sor.u32 @!p2 s18, s17  }
0x16e: {  	s30 =	simm.s32 @!p2 $0x0;
	s0 =	sor.u32 @!p2 s18, s0;
	s17 =	sshrl.u32 @!p2 s17, $0x3  }
0x16f: {  	s31 =	simm.s32 @!p2 $0xA100;
	s0 =	sshrl.u32 @!p2 s0, $0x3;
	s17 =	sadd.s32 @!p2 s2, s17  }
0x170: {  	[tilespmem:s31], [sflag:$0x7] =	stream.linear.gather @!p2 [hbm4b:s17+s30], $0x80, $0x38;
	[tilespmem:$0x1E378] =	vst v63  }
0x171: {  	s0 =	sadd.s32 @!p2 s2, s0;
	s17 =	simm.s32 @!p2 $0xA500  }
0x172: {  	[tilespmem:s17], [sflag:$0xF] =	stream.linear.gather @!p2 [hbm4b:s0+s30], $0x80, $0x38;
	[tilespmem:$0x1E378] =	vst v63  }
0x173: {  	s0 =	simm.s32 @!p1 $0x4  }
0x174: {  	_ =	swait.ge @!p1 [sflag:s0], $0x2800  }
0x175: {  	[sflag:s0] =	ssyncset.done @!p1 $0x0  }
0x176: {  	[sflag:s0] =	ssyncadd.s32 @!p1 $0xFFFFD800;
	s0 =	simm.s32 @!p1 $0x10  }
0x177: {  	_ =	swait.ge @!p1 [sflag:s0], $0x80  }
0x178: {  	s18 =	simm.s32 @!p1 $0x7800;
	[sflag:s0] =	ssyncset.done @!p1 $0x0  }
0x179: {  	s17 =	simm.s32 @!p1 $0xA580;
	[sflag:s0] =	ssyncadd.s32 @!p1 $0xFFFFFF80;
	s0 =	simm.s32 @!p1 $0x50  }
0x17a: {  	[spmem:s3] =	stream.indirect.scatter.add.f32 @!p1 [tilespmem:s18], [sflag:$0x15], $0x80, s17, s0, $0xb8;
	[tilespmem:$0x1E378] =	vst v63  }
0x17b: {  	s18 =	simm.s32 @!p1 $0x15  }
0x17c: {  	_ =	swait.ge @!p1 [sflag:s18], $0x2800  }
0x17d: {  	[sflag:s18] =	ssyncset.done @!p1 $0x0  }
0x17e: {  	s30 =	simm.s32 @!p1 $0xA800;
	[sflag:s18] =	ssyncadd.s32 @!p1 $0xFFFFD800  }
0x17f: {  	[spmem:s4] =	stream.indirect.scatter.add.f32 @!p1 [tilespmem:s30], [sflag:$0x15], $0x1, s17, s0, $0xb8;
	[tilespmem:$0x1E378] =	vst v63  }
0x180: {  	p2 =	sgt.u32 @!p1 s8, $0x78;
	_ =	swait.ge @!p1 [sflag:s18], $0x50  }
0x181: {  	p3 =	por p2, p1;
	[sflag:s18] =	ssyncset.done @!p1 $0x0  }
0x182: {  	s0 =	simm.s32 @!p3 $0xC;
	[sflag:s18] =	ssyncadd.s32 @!p1 $0xFFFFFFB0  }
0x183: {  	_ =	swait.ge @!p3 [sflag:s0], $0x80  }
0x184: {  	s17 =	simm.s32 @!p3 $0xA380;
	[sflag:s0] =	ssyncset.done @!p3 $0x0  }
0x185: {  	s18 =	simm.s32 @!p3 $0x7800;
	[sflag:s0] =	ssyncadd.s32 @!p3 $0xFFFFFF80;
	s0 =	simm.s32 @!p3 $0x50  }
0x186: {  	[tilespmem:s18], [sflag:$0x4] =	stream.indirect.gather @!p3 [hbm4b:s1+s0], $0x80, s17, s0, $0xb8;
	[tilespmem:$0x1E378] =	vst v63  }
0x187: {  	p3 =	sgt.u32 @!p3 s8, $0x74  }
0x188: {  	p2 =	por @!p1 p3, p2  }
0x189: {  	p1 =	por p2, p1  }
0x18a: {  	s0 =	sadd.s32 @!p1 $0x400, s29  }
0x18b: {  	s0 =	sand.u32 @!p1 $0x7C00, s0  }
0x18c: {  	s18 =	sand.u32 @!p1 $0x380, s29;
	s17 =	sadd.s32 @!p1 s10, s0  }
0x18d: {  	s30 =	simm.s32 @!p1 $0x0;
	s0 =	sadd.s32 @!p1 s11, s0;
	s17 =	sor.u32 @!p1 s18, s17  }
.Ltmp9:
0x18e: {  	s0 =	sor.u32 @!p1 s18, s0;
	s17 =	sshrl.u32 @!p1 s17, $0x3;
	(pc) =	sbr.rel .LBB2_9-.Ltmp9, $4  }
0x18f: {  	s31 =	simm.s32 @!p1 $0xA180;
	s0 =	sshrl.u32 @!p1 s0, $0x3;
	s17 =	sadd.s32 @!p1 s2, s17  }
0x190: {  	[tilespmem:s31], [sflag:$0x8] =	stream.linear.gather @!p1 [hbm4b:s17+s30], $0x80, $0x38;
	[tilespmem:$0x1E378] =	vst v63  }
0x191: {  	s0 =	sadd.s32 @!p1 s2, s0;
	s17 =	simm.s32 @!p1 $0xA580  }
0x192: {  	[tilespmem:s17], [sflag:$0x10] =	stream.linear.gather @!p1 [hbm4b:s0+s30], $0x80, $0x38;
	[tilespmem:$0x1E378] =	vst v63  }
.LBB2_11:
0x193: {  	_ =	sfence.sel $0x180000  }
0x194: {  	[bflag:$0x0] =	sbarrier.arrive $0xFFFF  }
0x195: {  	_ =	strace $0x90000047  }
0x196: {  	[bflag:$0x2] =	sbarrier.arrive $0xFFFF  }
0x197: {  	s0 =	rddreg [dreg:$0x5]  }
0x198: {  	s0 =	sadd.s32 @!p0 $0x100000, s0  }
0x199: {  	[sflag:s0] =	ssyncadd.tile.s32 @!p0 $0x1;
	_ =	shalt  }
.Lfunc_end2:
_tile_overlayer_lowered:
.L_overlay_start_2:
0x19a: {  	(tag) =	ssettag $0x2  }
0x19b: {  	s0 =	rddreg [dreg:$0x0];
	s2 =	stileid.u32  }
0x19c: {  	s1 =	rddreg [dreg:$0x1];
	p0 =	sne.s32 s2, $0x0  }
0x19d: {  	s3 =	rddreg [dreg:$0x2];
	[bflag:$0x3] =	sbarrier.arrive $0xFFFF;
	s2 =	simm.s32 @!p0 $0x1C15  }
0x19e: {  	[timem:s3], [sflag:s2] =	dma.local @!p0 [hbm:s0], s1  }
0x19f: {  	s0 =	simm.s32 @!p0 $0x15  }
0x1a0: {  	_ =	swait.ge @!p0 [sflag:s0], s1  }
0x1a1: {  	s1 =	ssub.s32 @!p0 $0x0, s1;
	[sflag:s0] =	ssyncset.done @!p0 $0x0  }
0x1a2: {  	[sflag:s0] =	ssyncadd.s32 @!p0 s1  }
0x1a3: {  	[bflag:$0x3] =	sbarrier.arrive $0xFFFF  }
0x1a4: {  	_ =	shalt  }

</sc_bundles>
